<compile_context>
chip_gen: v7x
topology: tpu7x:2x2x1
jax: 0.10.2.dev20260603
libtpu: 0.0.44.dev20260713+nightly
codegen_flags: <defaults>
</compile_context>

<pallas_src>
import functools

import jax
import jax.numpy as jnp
from jax import lax
from jax.experimental import pallas as pl
from jax.experimental.pallas import tpu as pltpu
from jax.experimental.pallas import tpu_sc as plsc

_B = 16384
_D = 64
_LOSS_WEIGHT = 0.1

_NC = 2
_NS = 16
_NW = _NC * _NS
_BPW = _B // _NW
_L = 16
_CH = 128
_NCH = _BPW // _CH
_NG = _BPW // _L
_QR = _D // _L

def _center_loss_sc(feat_hbm, label_hbm, centers_hbm, logits_hbm, part_hbm,
                    idx_v, feat_v, cent_v, logits_v, part_v, fsem, gsem):
    wid = lax.axis_index("s") * _NC + lax.axis_index("c")
    base = wid * _BPW

    pltpu.sync_copy(label_hbm.at[pl.ds(wid * _NCH, _NCH)], idx_v)
    fcopy = pltpu.async_copy(
        feat_hbm.at[pl.ds(base * _D, _BPW * _D)], feat_v, fsem
    )
    gcopies = [
        pltpu.async_copy(
            centers_hbm.at[idx_v.at[j]], cent_v.at[pl.ds(j * _CH, _CH)], gsem
        )
        for j in range(_NCH)
    ]
    fcopy.wait()
    for c in gcopies:
        c.wait()

    lane = lax.iota(jnp.int32, _L)

    def group_body(g, tot):
        row_sums = jnp.zeros((_L,), jnp.float32)
        for k in range(_L):
            r = g * _L + k
            acc = jnp.zeros((_L,), jnp.float32)
            for q in range(_QR):
                f = feat_v[pl.ds(r * _D + q * _L, _L)]
                c = cent_v[r, pl.ds(q * _L, _L)]
                diff = f - c
                acc = acc + diff * diff
            tot = tot + acc
            row_sums = jnp.where(lane == k, jnp.sum(acc), row_sums)
        logits_v[pl.ds(g * _L, _L)] = row_sums
        return tot

    tot = lax.fori_loop(0, _NG, group_body, jnp.zeros((_L,), jnp.float32))
    part_v[...] = tot

    pltpu.sync_copy(logits_v, logits_hbm.at[pl.ds(base, _BPW)])
    pltpu.sync_copy(part_v, part_hbm.at[pl.ds(wid * _L, _L)])


@functools.cache
def _build_sc_kernel():
    mesh = plsc.VectorSubcoreMesh(
        core_axis_name="c", subcore_axis_name="s",
        num_cores=_NC, num_subcores=_NS,
    )
    return pl.kernel(
        _center_loss_sc,
        out_type=(
            jax.ShapeDtypeStruct((_B,), jnp.float32),
            jax.ShapeDtypeStruct((_NW * _L,), jnp.float32),
        ),
        mesh=mesh,
        compiler_params=pltpu.CompilerParams(
            needs_layout_passes=False, use_tc_tiling_on_sc=False
        ),
        scratch_types=[
            pltpu.VMEM((_NCH, _CH), jnp.int32),
            pltpu.VMEM((_BPW * _D,), jnp.float32),
            pltpu.VMEM((_BPW, _D), jnp.float32),
            pltpu.VMEM((_BPW,), jnp.float32),
            pltpu.VMEM((_L,), jnp.float32),
            pltpu.SemaphoreType.DMA,
            pltpu.SemaphoreType.DMA,
        ],
    )


def kernel(feat, label, centers):
    feat_flat = feat.reshape(_B * _D)
    label2d = label.reshape(_NW * _NCH, _CH)
    logits, parts = _build_sc_kernel()(feat_flat, label2d, centers)
    loss = (_LOSS_WEIGHT * 0.5) * jnp.sum(parts)
    return logits, loss

# --- scband reference (transcript-rebuilt; emitter-appended) ---
"""Pipeline reference for scband-center-loss-47897475285015 (READ-ONLY COPY).

The authoritative reference and input builder live on the scoring server;
editing this copy changes nothing except your own understanding.
"""

import jax, jax.numpy as jnp
import numpy as np

B = 16384
FEAT_DIM = 64
NUM_CLASSES = 100000
LOSS_WEIGHT = 0.1


def setup_inputs(seed: int = 0) -> dict:
    key = jax.random.key(seed)
    k1, k2, k3 = jax.random.split(key, 3)
    feat = jax.random.normal(k1, (B, FEAT_DIM), dtype=jnp.float32)
    label = jax.random.randint(k2, (B,), 0, NUM_CLASSES, dtype=jnp.int32)
    centers = jax.random.normal(k3, (NUM_CLASSES, FEAT_DIM), dtype=jnp.float32)
    return {"feat": feat, "label": label, "centers": centers}


def reference(feat, label, centers):
    # feat.view(B,1,1,-1).squeeze() -> [B, feat_dim]
    feat = feat.reshape(feat.shape[0], -1)
    # centers.index_select(0, label) -> gather rows (SparseCore gather)
    centers_sel = jnp.take(centers, label, axis=0)
    diff = feat - centers_sel
    logits = jnp.sum(diff ** 2, axis=1)
    loss = jnp.sum(logits, axis=0) / 2.0
    return (logits, LOSS_WEIGHT * loss)

if __name__ == "__main__":
    import jax
    _d = setup_inputs()
    print(jax.jit(kernel)(*tuple(_d.values())))

</pallas_src>

<mosaic_0001>
#map = affine_map<(d0, d1) -> (0)>
#map1 = affine_map<(d0, d1) -> (0, 0)>
module attributes {stable_mosaic.version = 14 : i64} {
  func.func @_center_loss_sc(%arg0: i32, %arg1: i32, %arg2: memref<1048576xf32, #tpu.memory_space<hbm>>, %arg3: memref<128x128xi32, #tpu.memory_space<hbm>>, %arg4: memref<100000x64xf32, #tpu.memory_space<hbm>>, %arg5: memref<16384xf32, #tpu.memory_space<hbm>>, %arg6: memref<512xf32, #tpu.memory_space<hbm>>, %arg7: memref<4x128xi32, #tpu.memory_space<vmem>>, %arg8: memref<32768xf32, #tpu.memory_space<vmem>>, %arg9: memref<512x64xf32, #tpu.memory_space<vmem>>, %arg10: memref<512xf32, #tpu.memory_space<vmem>>, %arg11: memref<16xf32, #tpu.memory_space<vmem>>, %arg12: memref<!tpu.dma_semaphore, #tpu.memory_space<semaphore_mem>>, %arg13: memref<!tpu.dma_semaphore, #tpu.memory_space<semaphore_mem>>) attributes {dimension_semantics = [#tpu.dimension_semantics<core_parallel>, #tpu.dimension_semantics<subcore_parallel>], iteration_bounds = array<i64: 2, 16>, scalar_prefetch = 0 : i64, scratch_operands = 7 : i64, tpu.core_type = #tpu.core_type<sc_vector_subcore>, window_params = [{transform_indices = #map}, {transform_indices = #map1}, {transform_indices = #map1}, {transform_indices = #map}, {transform_indices = #map}]} {
    %mul3A = arith.constant 2 : i32
    %mul3A_0 = arith.muli %arg1, %mul3A : i32
    %add3A = arith.addi %mul3A_0, %arg0 : i32
    %mul3A_1 = arith.constant 512 : i32
    %mul3A_2 = arith.muli %add3A, %mul3A_1 : i32
    %mul3A_3 = arith.constant 4 : i32
    %mul3A_4 = arith.muli %add3A, %mul3A_3 : i32
    "tpu.region"() ({
      %run_scoped3A = tpu.sem_alloc : memref<!tpu.dma_semaphore, #tpu.memory_space<semaphore_mem>>
      %dma_start3A_98 = arith.constant 0 : i32
      %dma_start3A_99 = tpu.memref_slice %arg3[%mul3A_4, %dma_start3A_98] : memref<128x128xi32, #tpu.memory_space<hbm>> -> memref<4x128xi32, #tpu.memory_space<hbm>>
      %dma_start3A_100 = arith.constant 0 : i32
      %dma_start3A_101 = tpu.memref_slice %arg3[%mul3A_4, %dma_start3A_100] : memref<128x128xi32, #tpu.memory_space<hbm>> -> memref<4x128xi32, #tpu.memory_space<hbm>>
      tpu.enqueue_dma source(%dma_start3A_101 : memref<4x128xi32, #tpu.memory_space<hbm>>) target(%arg7 : memref<4x128xi32, #tpu.memory_space<vmem>>) target_semaphore(%run_scoped3A : memref<!tpu.dma_semaphore, #tpu.memory_space<semaphore_mem>>)
      %dma_wait3A_102 = arith.constant 0 : i32
      %dma_wait3A_103 = tpu.memref_slice %arg3[%mul3A_4, %dma_wait3A_102] : memref<128x128xi32, #tpu.memory_space<hbm>> -> memref<4x128xi32, #tpu.memory_space<hbm>>
      %dma_wait3A_104 = arith.constant 0 : i32
      %dma_wait3A_105 = tpu.memref_slice %arg3[%mul3A_4, %dma_wait3A_104] : memref<128x128xi32, #tpu.memory_space<hbm>> -> memref<4x128xi32, #tpu.memory_space<hbm>>
      tpu.wait_dma2 semaphore(%run_scoped3A : memref<!tpu.dma_semaphore, #tpu.memory_space<semaphore_mem>>) src(%dma_wait3A_105 : memref<4x128xi32, #tpu.memory_space<hbm>>) dst(%arg7 : memref<4x128xi32, #tpu.memory_space<vmem>>)
      tpu.yield
    }) : () -> ()
    %mul3A_5 = arith.constant 64 : i32
    %mul3A_6 = arith.muli %mul3A_2, %mul3A_5 : i32
    %dma_start3A = tpu.memref_slice %arg2[%mul3A_6] : memref<1048576xf32, #tpu.memory_space<hbm>> -> memref<32768xf32, #tpu.memory_space<hbm>>
    %dma_start3A_7 = tpu.memref_slice %arg2[%mul3A_6] : memref<1048576xf32, #tpu.memory_space<hbm>> -> memref<32768xf32, #tpu.memory_space<hbm>>
    tpu.enqueue_dma source(%dma_start3A_7 : memref<32768xf32, #tpu.memory_space<hbm>>) target(%arg8 : memref<32768xf32, #tpu.memory_space<vmem>>) target_semaphore(%arg12 : memref<!tpu.dma_semaphore, #tpu.memory_space<semaphore_mem>>)
    %dma_start3A_8 = arith.constant 0 : i32
    %dma_start3A_9 = arith.constant 0 : i32
    %dma_start3A_10 = arith.constant 0 : i32
    %dma_start3A_11 = tpu.memref_slice %arg9[%dma_start3A_9, %dma_start3A_10] : memref<512x64xf32, #tpu.memory_space<vmem>> -> memref<128x64xf32, #tpu.memory_space<vmem>>
    %dma_start3A_12 = arith.constant 0 : i32
    %dma_start3A_13 = tpu.memref_slice %arg7[%dma_start3A_8, %dma_start3A_12] : memref<4x128xi32, #tpu.memory_space<vmem>> -> memref<1x128xi32, #tpu.memory_space<vmem>>
    %dma_start3A_14 = tpu.memref_squeeze %dma_start3A_13 : memref<1x128xi32, #tpu.memory_space<vmem>> -> memref<128xi32, #tpu.memory_space<vmem>>
    %dma_start3A_15 = arith.constant 0 : i32
    %dma_start3A_16 = arith.constant 0 : i32
    %dma_start3A_17 = tpu.memref_slice %arg4[%dma_start3A_15, %dma_start3A_16] : memref<100000x64xf32, #tpu.memory_space<hbm>> -> memref<100000x64xf32, #tpu.memory_space<hbm>>
    tpu.enqueue_indirect_dma source(%dma_start3A_17 : memref<100000x64xf32, #tpu.memory_space<hbm>>) target(%dma_start3A_11 : memref<128x64xf32, #tpu.memory_space<vmem>>) offsets(%dma_start3A_14 : memref<128xi32, #tpu.memory_space<vmem>>) semaphore(%arg13 : memref<!tpu.dma_semaphore, #tpu.memory_space<semaphore_mem>>)
    %dma_start3A_18 = arith.constant 1 : i32
    %dma_start3A_19 = arith.constant 128 : i32
    %dma_start3A_20 = arith.constant 0 : i32
    %dma_start3A_21 = tpu.memref_slice %arg9[%dma_start3A_19, %dma_start3A_20] : memref<512x64xf32, #tpu.memory_space<vmem>> -> memref<128x64xf32, #tpu.memory_space<vmem>>
    %dma_start3A_22 = arith.constant 0 : i32
    %dma_start3A_23 = tpu.memref_slice %arg7[%dma_start3A_18, %dma_start3A_22] : memref<4x128xi32, #tpu.memory_space<vmem>> -> memref<1x128xi32, #tpu.memory_space<vmem>>
    %dma_start3A_24 = tpu.memref_squeeze %dma_start3A_23 : memref<1x128xi32, #tpu.memory_space<vmem>> -> memref<128xi32, #tpu.memory_space<vmem>>
    %dma_start3A_25 = arith.constant 0 : i32
    %dma_start3A_26 = arith.constant 0 : i32
    %dma_start3A_27 = tpu.memref_slice %arg4[%dma_start3A_25, %dma_start3A_26] : memref<100000x64xf32, #tpu.memory_space<hbm>> -> memref<100000x64xf32, #tpu.memory_space<hbm>>
    tpu.enqueue_indirect_dma source(%dma_start3A_27 : memref<100000x64xf32, #tpu.memory_space<hbm>>) target(%dma_start3A_21 : memref<128x64xf32, #tpu.memory_space<vmem>>) offsets(%dma_start3A_24 : memref<128xi32, #tpu.memory_space<vmem>>) semaphore(%arg13 : memref<!tpu.dma_semaphore, #tpu.memory_space<semaphore_mem>>)
    %dma_start3A_28 = arith.constant 2 : i32
    %dma_start3A_29 = arith.constant 256 : i32
    %dma_start3A_30 = arith.constant 0 : i32
    %dma_start3A_31 = tpu.memref_slice %arg9[%dma_start3A_29, %dma_start3A_30] : memref<512x64xf32, #tpu.memory_space<vmem>> -> memref<128x64xf32, #tpu.memory_space<vmem>>
    %dma_start3A_32 = arith.constant 0 : i32
    %dma_start3A_33 = tpu.memref_slice %arg7[%dma_start3A_28, %dma_start3A_32] : memref<4x128xi32, #tpu.memory_space<vmem>> -> memref<1x128xi32, #tpu.memory_space<vmem>>
    %dma_start3A_34 = tpu.memref_squeeze %dma_start3A_33 : memref<1x128xi32, #tpu.memory_space<vmem>> -> memref<128xi32, #tpu.memory_space<vmem>>
    %dma_start3A_35 = arith.constant 0 : i32
    %dma_start3A_36 = arith.constant 0 : i32
    %dma_start3A_37 = tpu.memref_slice %arg4[%dma_start3A_35, %dma_start3A_36] : memref<100000x64xf32, #tpu.memory_space<hbm>> -> memref<100000x64xf32, #tpu.memory_space<hbm>>
    tpu.enqueue_indirect_dma source(%dma_start3A_37 : memref<100000x64xf32, #tpu.memory_space<hbm>>) target(%dma_start3A_31 : memref<128x64xf32, #tpu.memory_space<vmem>>) offsets(%dma_start3A_34 : memref<128xi32, #tpu.memory_space<vmem>>) semaphore(%arg13 : memref<!tpu.dma_semaphore, #tpu.memory_space<semaphore_mem>>)
    %dma_start3A_38 = arith.constant 3 : i32
    %dma_start3A_39 = arith.constant 384 : i32
    %dma_start3A_40 = arith.constant 0 : i32
    %dma_start3A_41 = tpu.memref_slice %arg9[%dma_start3A_39, %dma_start3A_40] : memref<512x64xf32, #tpu.memory_space<vmem>> -> memref<128x64xf32, #tpu.memory_space<vmem>>
    %dma_start3A_42 = arith.constant 0 : i32
    %dma_start3A_43 = tpu.memref_slice %arg7[%dma_start3A_38, %dma_start3A_42] : memref<4x128xi32, #tpu.memory_space<vmem>> -> memref<1x128xi32, #tpu.memory_space<vmem>>
    %dma_start3A_44 = tpu.memref_squeeze %dma_start3A_43 : memref<1x128xi32, #tpu.memory_space<vmem>> -> memref<128xi32, #tpu.memory_space<vmem>>
    %dma_start3A_45 = arith.constant 0 : i32
    %dma_start3A_46 = arith.constant 0 : i32
    %dma_start3A_47 = tpu.memref_slice %arg4[%dma_start3A_45, %dma_start3A_46] : memref<100000x64xf32, #tpu.memory_space<hbm>> -> memref<100000x64xf32, #tpu.memory_space<hbm>>
    tpu.enqueue_indirect_dma source(%dma_start3A_47 : memref<100000x64xf32, #tpu.memory_space<hbm>>) target(%dma_start3A_41 : memref<128x64xf32, #tpu.memory_space<vmem>>) offsets(%dma_start3A_44 : memref<128xi32, #tpu.memory_space<vmem>>) semaphore(%arg13 : memref<!tpu.dma_semaphore, #tpu.memory_space<semaphore_mem>>)
    %dma_wait3A = tpu.memref_slice %arg2[%mul3A_6] : memref<1048576xf32, #tpu.memory_space<hbm>> -> memref<32768xf32, #tpu.memory_space<hbm>>
    %dma_wait3A_48 = tpu.memref_slice %arg2[%mul3A_6] : memref<1048576xf32, #tpu.memory_space<hbm>> -> memref<32768xf32, #tpu.memory_space<hbm>>
    tpu.wait_dma2 semaphore(%arg12 : memref<!tpu.dma_semaphore, #tpu.memory_space<semaphore_mem>>) src(%dma_wait3A_48 : memref<32768xf32, #tpu.memory_space<hbm>>) dst(%arg8 : memref<32768xf32, #tpu.memory_space<vmem>>)
    %dma_wait3A_49 = arith.constant 0 : i32
    %dma_wait3A_50 = arith.constant 0 : i32
    %dma_wait3A_51 = arith.constant 0 : i32
    %dma_wait3A_52 = tpu.memref_slice %arg9[%dma_wait3A_50, %dma_wait3A_51] : memref<512x64xf32, #tpu.memory_space<vmem>> -> memref<128x64xf32, #tpu.memory_space<vmem>>
    %dma_wait3A_53 = arith.constant 0 : i32
    %dma_wait3A_54 = tpu.memref_slice %arg7[%dma_wait3A_49, %dma_wait3A_53] : memref<4x128xi32, #tpu.memory_space<vmem>> -> memref<1x128xi32, #tpu.memory_space<vmem>>
    %dma_wait3A_55 = tpu.memref_squeeze %dma_wait3A_54 : memref<1x128xi32, #tpu.memory_space<vmem>> -> memref<128xi32, #tpu.memory_space<vmem>>
    %dma_wait3A_56 = arith.constant 0 : i32
    %dma_wait3A_57 = arith.constant 0 : i32
    %dma_wait3A_58 = tpu.memref_slice %arg4[%dma_wait3A_56, %dma_wait3A_57] : memref<100000x64xf32, #tpu.memory_space<hbm>> -> memref<100000x64xf32, #tpu.memory_space<hbm>>
    tpu.wait_indirect_dma semaphore(%arg13 : memref<!tpu.dma_semaphore, #tpu.memory_space<semaphore_mem>>) src(%dma_wait3A_58 : memref<100000x64xf32, #tpu.memory_space<hbm>>) dst(%dma_wait3A_52 : memref<128x64xf32, #tpu.memory_space<vmem>>)
    %dma_wait3A_59 = arith.constant 1 : i32
    %dma_wait3A_60 = arith.constant 128 : i32
    %dma_wait3A_61 = arith.constant 0 : i32
    %dma_wait3A_62 = tpu.memref_slice %arg9[%dma_wait3A_60, %dma_wait3A_61] : memref<512x64xf32, #tpu.memory_space<vmem>> -> memref<128x64xf32, #tpu.memory_space<vmem>>
    %dma_wait3A_63 = arith.constant 0 : i32
    %dma_wait3A_64 = tpu.memref_slice %arg7[%dma_wait3A_59, %dma_wait3A_63] : memref<4x128xi32, #tpu.memory_space<vmem>> -> memref<1x128xi32, #tpu.memory_space<vmem>>
    %dma_wait3A_65 = tpu.memref_squeeze %dma_wait3A_64 : memref<1x128xi32, #tpu.memory_space<vmem>> -> memref<128xi32, #tpu.memory_space<vmem>>
    %dma_wait3A_66 = arith.constant 0 : i32
    %dma_wait3A_67 = arith.constant 0 : i32
    %dma_wait3A_68 = tpu.memref_slice %arg4[%dma_wait3A_66, %dma_wait3A_67] : memref<100000x64xf32, #tpu.memory_space<hbm>> -> memref<100000x64xf32, #tpu.memory_space<hbm>>
    tpu.wait_indirect_dma semaphore(%arg13 : memref<!tpu.dma_semaphore, #tpu.memory_space<semaphore_mem>>) src(%dma_wait3A_68 : memref<100000x64xf32, #tpu.memory_space<hbm>>) dst(%dma_wait3A_62 : memref<128x64xf32, #tpu.memory_space<vmem>>)
    %dma_wait3A_69 = arith.constant 2 : i32
    %dma_wait3A_70 = arith.constant 256 : i32
    %dma_wait3A_71 = arith.constant 0 : i32
    %dma_wait3A_72 = tpu.memref_slice %arg9[%dma_wait3A_70, %dma_wait3A_71] : memref<512x64xf32, #tpu.memory_space<vmem>> -> memref<128x64xf32, #tpu.memory_space<vmem>>
    %dma_wait3A_73 = arith.constant 0 : i32
    %dma_wait3A_74 = tpu.memref_slice %arg7[%dma_wait3A_69, %dma_wait3A_73] : memref<4x128xi32, #tpu.memory_space<vmem>> -> memref<1x128xi32, #tpu.memory_space<vmem>>
    %dma_wait3A_75 = tpu.memref_squeeze %dma_wait3A_74 : memref<1x128xi32, #tpu.memory_space<vmem>> -> memref<128xi32, #tpu.memory_space<vmem>>
    %dma_wait3A_76 = arith.constant 0 : i32
    %dma_wait3A_77 = arith.constant 0 : i32
    %dma_wait3A_78 = tpu.memref_slice %arg4[%dma_wait3A_76, %dma_wait3A_77] : memref<100000x64xf32, #tpu.memory_space<hbm>> -> memref<100000x64xf32, #tpu.memory_space<hbm>>
    tpu.wait_indirect_dma semaphore(%arg13 : memref<!tpu.dma_semaphore, #tpu.memory_space<semaphore_mem>>) src(%dma_wait3A_78 : memref<100000x64xf32, #tpu.memory_space<hbm>>) dst(%dma_wait3A_72 : memref<128x64xf32, #tpu.memory_space<vmem>>)
    %dma_wait3A_79 = arith.constant 3 : i32
    %dma_wait3A_80 = arith.constant 384 : i32
    %dma_wait3A_81 = arith.constant 0 : i32
    %dma_wait3A_82 = tpu.memref_slice %arg9[%dma_wait3A_80, %dma_wait3A_81] : memref<512x64xf32, #tpu.memory_space<vmem>> -> memref<128x64xf32, #tpu.memory_space<vmem>>
    %dma_wait3A_83 = arith.constant 0 : i32
    %dma_wait3A_84 = tpu.memref_slice %arg7[%dma_wait3A_79, %dma_wait3A_83] : memref<4x128xi32, #tpu.memory_space<vmem>> -> memref<1x128xi32, #tpu.memory_space<vmem>>
    %dma_wait3A_85 = tpu.memref_squeeze %dma_wait3A_84 : memref<1x128xi32, #tpu.memory_space<vmem>> -> memref<128xi32, #tpu.memory_space<vmem>>
    %dma_wait3A_86 = arith.constant 0 : i32
    %dma_wait3A_87 = arith.constant 0 : i32
    %dma_wait3A_88 = tpu.memref_slice %arg4[%dma_wait3A_86, %dma_wait3A_87] : memref<100000x64xf32, #tpu.memory_space<hbm>> -> memref<100000x64xf32, #tpu.memory_space<hbm>>
    tpu.wait_indirect_dma semaphore(%arg13 : memref<!tpu.dma_semaphore, #tpu.memory_space<semaphore_mem>>) src(%dma_wait3A_88 : memref<100000x64xf32, #tpu.memory_space<hbm>>) dst(%dma_wait3A_82 : memref<128x64xf32, #tpu.memory_space<vmem>>)
    %iota3A = tpu.iota {dimensions = array<i32: 0>} : vector<16xi32>
    %broadcast_in_dim3A = arith.constant 0.000000e+00 : f32
    %broadcast_in_dim3A_89 = vector.broadcast %broadcast_in_dim3A : f32 to vector<16xf32>
    %scan3A = arith.constant 0 : i32
    %scan3A_90 = arith.constant 32 : i32
    %scan3A_91 = arith.addi %scan3A, %scan3A_90 : i32
    %scan3A_92 = arith.constant 1 : i32
    %scan3A_93 = scf.for %scan3A_98 = %scan3A to %scan3A_91 step %scan3A_92 iter_args(%scan3A_99 = %broadcast_in_dim3A_89) -> (vector<16xf32>)  : i32 {
      %broadcast_in_dim3A_100 = arith.constant 0.000000e+00 : f32
      %broadcast_in_dim3A_101 = vector.broadcast %broadcast_in_dim3A_100 : f32 to vector<16xf32>
      %mul3A_102 = arith.constant 16 : i32
      %mul3A_103 = arith.muli %scan3A_98, %mul3A_102 : i32
      %add3A_104 = arith.constant 0 : i32
      %add3A_105 = arith.addi %mul3A_103, %add3A_104 : i32
      %broadcast_in_dim3A_106 = arith.constant 0.000000e+00 : f32
      %broadcast_in_dim3A_107 = vector.broadcast %broadcast_in_dim3A_106 : f32 to vector<16xf32>
      %mul3A_108 = arith.constant 64 : i32
      %mul3A_109 = arith.muli %add3A_105, %mul3A_108 : i32
      %add3A_110 = arith.constant 0 : i32
      %add3A_111 = arith.addi %mul3A_109, %add3A_110 : i32
      %get3A = arith.index_cast %add3A_111 : i32 to index
      %get3A_112 = tpu.vector_load %arg8[%get3A] {strides = array<i32>} : memref<32768xf32, #tpu.memory_space<vmem>>, vector<16xf32>,
      %get3A_113 = arith.index_cast %add3A_105 : i32 to index
      %get3A_114 = arith.constant 0 : index
      %get3A_115 = tpu.vector_load %arg9[%get3A_113, %get3A_114] {strides = array<i32>} : memref<512x64xf32, #tpu.memory_space<vmem>>, vector<16xf32>,
      %sub3A = arith.subf %get3A_112, %get3A_115 : vector<16xf32>
      %mul3A_116 = arith.mulf %sub3A, %sub3A : vector<16xf32>
      %add3A_117 = arith.addf %broadcast_in_dim3A_107, %mul3A_116 : vector<16xf32>
      %mul3A_118 = arith.constant 64 : i32
      %mul3A_119 = arith.muli %add3A_105, %mul3A_118 : i32
      %add3A_120 = arith.constant 16 : i32
      %add3A_121 = arith.addi %mul3A_119, %add3A_120 : i32
      %get3A_122 = arith.index_cast %add3A_121 : i32 to index
      %get3A_123 = tpu.vector_load %arg8[%get3A_122] {strides = array<i32>} : memref<32768xf32, #tpu.memory_space<vmem>>, vector<16xf32>,
      %get3A_124 = arith.index_cast %add3A_105 : i32 to index
      %get3A_125 = arith.constant 16 : index
      %get3A_126 = tpu.vector_load %arg9[%get3A_124, %get3A_125] {strides = array<i32>} : memref<512x64xf32, #tpu.memory_space<vmem>>, vector<16xf32>,
      %sub3A_127 = arith.subf %get3A_123, %get3A_126 : vector<16xf32>
      %mul3A_128 = arith.mulf %sub3A_127, %sub3A_127 : vector<16xf32>
      %add3A_129 = arith.addf %add3A_117, %mul3A_128 : vector<16xf32>
      %mul3A_130 = arith.constant 64 : i32
      %mul3A_131 = arith.muli %add3A_105, %mul3A_130 : i32
      %add3A_132 = arith.constant 32 : i32
      %add3A_133 = arith.addi %mul3A_131, %add3A_132 : i32
      %get3A_134 = arith.index_cast %add3A_133 : i32 to index
      %get3A_135 = tpu.vector_load %arg8[%get3A_134] {strides = array<i32>} : memref<32768xf32, #tpu.memory_space<vmem>>, vector<16xf32>,
      %get3A_136 = arith.index_cast %add3A_105 : i32 to index
      %get3A_137 = arith.constant 32 : index
      %get3A_138 = tpu.vector_load %arg9[%get3A_136, %get3A_137] {strides = array<i32>} : memref<512x64xf32, #tpu.memory_space<vmem>>, vector<16xf32>,
      %sub3A_139 = arith.subf %get3A_135, %get3A_138 : vector<16xf32>
      %mul3A_140 = arith.mulf %sub3A_139, %sub3A_139 : vector<16xf32>
      %add3A_141 = arith.addf %add3A_129, %mul3A_140 : vector<16xf32>
      %mul3A_142 = arith.constant 64 : i32
      %mul3A_143 = arith.muli %add3A_105, %mul3A_142 : i32
      %add3A_144 = arith.constant 48 : i32
      %add3A_145 = arith.addi %mul3A_143, %add3A_144 : i32
      %get3A_146 = arith.index_cast %add3A_145 : i32 to index
      %get3A_147 = tpu.vector_load %arg8[%get3A_146] {strides = array<i32>} : memref<32768xf32, #tpu.memory_space<vmem>>, vector<16xf32>,
      %get3A_148 = arith.index_cast %add3A_105 : i32 to index
      %get3A_149 = arith.constant 48 : index
      %get3A_150 = tpu.vector_load %arg9[%get3A_148, %get3A_149] {strides = array<i32>} : memref<512x64xf32, #tpu.memory_space<vmem>>, vector<16xf32>,
      %sub3A_151 = arith.subf %get3A_147, %get3A_150 : vector<16xf32>
      %mul3A_152 = arith.mulf %sub3A_151, %sub3A_151 : vector<16xf32>
      %add3A_153 = arith.addf %add3A_141, %mul3A_152 : vector<16xf32>
      %add3A_154 = arith.addf %scan3A_99, %add3A_153 : vector<16xf32>
      %eq3A = arith.constant 0 : i32
      %eq3A_155 = vector.broadcast %eq3A : i32 to vector<16xi32>
      %eq3A_156 = arith.cmpi eq, %iota3A, %eq3A_155 : vector<16xi32>
      %reduce_sum3A = arith.constant true
      %reduce_sum3A_157 = vector.broadcast %reduce_sum3A : i1 to vector<16xi1>
      %reduce_sum3A_158 = tpu.scan <sum>, %add3A_153 masked %reduce_sum3A_157 : vector<16xf32>, vector<16xi1> -> vector<16xf32>
      %reduce_sum3A_159 = vector.extract %reduce_sum3A_158[15] : f32 from vector<16xf32>
      %broadcast_in_dim3A_160 = vector.broadcast %reduce_sum3A_159 : f32 to vector<16xf32>
      %select_n3A = arith.select %eq3A_156, %broadcast_in_dim3A_160, %broadcast_in_dim3A_101 : vector<16xi1>, vector<16xf32>
      %mul3A_161 = arith.constant 16 : i32
      %mul3A_162 = arith.muli %scan3A_98, %mul3A_161 : i32
      %add3A_163 = arith.constant 1 : i32
      %add3A_164 = arith.addi %mul3A_162, %add3A_163 : i32
      %broadcast_in_dim3A_165 = arith.constant 0.000000e+00 : f32
      %broadcast_in_dim3A_166 = vector.broadcast %broadcast_in_dim3A_165 : f32 to vector<16xf32>
      %mul3A_167 = arith.constant 64 : i32
      %mul3A_168 = arith.muli %add3A_164, %mul3A_167 : i32
      %add3A_169 = arith.constant 0 : i32
      %add3A_170 = arith.addi %mul3A_168, %add3A_169 : i32
      %get3A_171 = arith.index_cast %add3A_170 : i32 to index
      %get3A_172 = tpu.vector_load %arg8[%get3A_171] {strides = array<i32>} : memref<32768xf32, #tpu.memory_space<vmem>>, vector<16xf32>,
      %get3A_173 = arith.index_cast %add3A_164 : i32 to index
      %get3A_174 = arith.constant 0 : index
      %get3A_175 = tpu.vector_load %arg9[%get3A_173, %get3A_174] {strides = array<i32>} : memref<512x64xf32, #tpu.memory_space<vmem>>, vector<16xf32>,
      %sub3A_176 = arith.subf %get3A_172, %get3A_175 : vector<16xf32>
      %mul3A_177 = arith.mulf %sub3A_176, %sub3A_176 : vector<16xf32>
      %add3A_178 = arith.addf %broadcast_in_dim3A_166, %mul3A_177 : vector<16xf32>
      %mul3A_179 = arith.constant 64 : i32
      %mul3A_180 = arith.muli %add3A_164, %mul3A_179 : i32
      %add3A_181 = arith.constant 16 : i32
      %add3A_182 = arith.addi %mul3A_180, %add3A_181 : i32
      %get3A_183 = arith.index_cast %add3A_182 : i32 to index
      %get3A_184 = tpu.vector_load %arg8[%get3A_183] {strides = array<i32>} : memref<32768xf32, #tpu.memory_space<vmem>>, vector<16xf32>,
      %get3A_185 = arith.index_cast %add3A_164 : i32 to index
      %get3A_186 = arith.constant 16 : index
      %get3A_187 = tpu.vector_load %arg9[%get3A_185, %get3A_186] {strides = array<i32>} : memref<512x64xf32, #tpu.memory_space<vmem>>, vector<16xf32>,
      %sub3A_188 = arith.subf %get3A_184, %get3A_187 : vector<16xf32>
      %mul3A_189 = arith.mulf %sub3A_188, %sub3A_188 : vector<16xf32>
      %add3A_190 = arith.addf %add3A_178, %mul3A_189 : vector<16xf32>
      %mul3A_191 = arith.constant 64 : i32
      %mul3A_192 = arith.muli %add3A_164, %mul3A_191 : i32
      %add3A_193 = arith.constant 32 : i32
      %add3A_194 = arith.addi %mul3A_192, %add3A_193 : i32
      %get3A_195 = arith.index_cast %add3A_194 : i32 to index
      %get3A_196 = tpu.vector_load %arg8[%get3A_195] {strides = array<i32>} : memref<32768xf32, #tpu.memory_space<vmem>>, vector<16xf32>,
      %get3A_197 = arith.index_cast %add3A_164 : i32 to index
      %get3A_198 = arith.constant 32 : index
      %get3A_199 = tpu.vector_load %arg9[%get3A_197, %get3A_198] {strides = array<i32>} : memref<512x64xf32, #tpu.memory_space<vmem>>, vector<16xf32>,
      %sub3A_200 = arith.subf %get3A_196, %get3A_199 : vector<16xf32>
      %mul3A_201 = arith.mulf %sub3A_200, %sub3A_200 : vector<16xf32>
      %add3A_202 = arith.addf %add3A_190, %mul3A_201 : vector<16xf32>
      %mul3A_203 = arith.constant 64 : i32
      %mul3A_204 = arith.muli %add3A_164, %mul3A_203 : i32
      %add3A_205 = arith.constant 48 : i32
      %add3A_206 = arith.addi %mul3A_204, %add3A_205 : i32
      %get3A_207 = arith.index_cast %add3A_206 : i32 to index
      %get3A_208 = tpu.vector_load %arg8[%get3A_207] {strides = array<i32>} : memref<32768xf32, #tpu.memory_space<vmem>>, vector<16xf32>,
      %get3A_209 = arith.index_cast %add3A_164 : i32 to index
      %get3A_210 = arith.constant 48 : index
      %get3A_211 = tpu.vector_load %arg9[%get3A_209, %get3A_210] {strides = array<i32>} : memref<512x64xf32, #tpu.memory_space<vmem>>, vector<16xf32>,
      %sub3A_212 = arith.subf %get3A_208, %get3A_211 : vector<16xf32>
      %mul3A_213 = arith.mulf %sub3A_212, %sub3A_212 : vector<16xf32>
      %add3A_214 = arith.addf %add3A_202, %mul3A_213 : vector<16xf32>
      %add3A_215 = arith.addf %add3A_154, %add3A_214 : vector<16xf32>
      %eq3A_216 = arith.constant 1 : i32
      %eq3A_217 = vector.broadcast %eq3A_216 : i32 to vector<16xi32>
      %eq3A_218 = arith.cmpi eq, %iota3A, %eq3A_217 : vector<16xi32>
      %reduce_sum3A_219 = arith.constant true
      %reduce_sum3A_220 = vector.broadcast %reduce_sum3A_219 : i1 to vector<16xi1>
      %reduce_sum3A_221 = tpu.scan <sum>, %add3A_214 masked %reduce_sum3A_220 : vector<16xf32>, vector<16xi1> -> vector<16xf32>
      %reduce_sum3A_222 = vector.extract %reduce_sum3A_221[15] : f32 from vector<16xf32>
      %broadcast_in_dim3A_223 = vector.broadcast %reduce_sum3A_222 : f32 to vector<16xf32>
      %select_n3A_224 = arith.select %eq3A_218, %broadcast_in_dim3A_223, %select_n3A : vector<16xi1>, vector<16xf32>
      %mul3A_225 = arith.constant 16 : i32
      %mul3A_226 = arith.muli %scan3A_98, %mul3A_225 : i32
      %add3A_227 = arith.constant 2 : i32
      %add3A_228 = arith.addi %mul3A_226, %add3A_227 : i32
      %broadcast_in_dim3A_229 = arith.constant 0.000000e+00 : f32
      %broadcast_in_dim3A_230 = vector.broadcast %broadcast_in_dim3A_229 : f32 to vector<16xf32>
      %mul3A_231 = arith.constant 64 : i32
      %mul3A_232 = arith.muli %add3A_228, %mul3A_231 : i32
      %add3A_233 = arith.constant 0 : i32
      %add3A_234 = arith.addi %mul3A_232, %add3A_233 : i32
      %get3A_235 = arith.index_cast %add3A_234 : i32 to index
      %get3A_236 = tpu.vector_load %arg8[%get3A_235] {strides = array<i32>} : memref<32768xf32, #tpu.memory_space<vmem>>, vector<16xf32>,
      %get3A_237 = arith.index_cast %add3A_228 : i32 to index
      %get3A_238 = arith.constant 0 : index
      %get3A_239 = tpu.vector_load %arg9[%get3A_237, %get3A_238] {strides = array<i32>} : memref<512x64xf32, #tpu.memory_space<vmem>>, vector<16xf32>,
      %sub3A_240 = arith.subf %get3A_236, %get3A_239 : vector<16xf32>
      %mul3A_241 = arith.mulf %sub3A_240, %sub3A_240 : vector<16xf32>
      %add3A_242 = arith.addf %broadcast_in_dim3A_230, %mul3A_241 : vector<16xf32>
      %mul3A_243 = arith.constant 64 : i32
      %mul3A_244 = arith.muli %add3A_228, %mul3A_243 : i32
      %add3A_245 = arith.constant 16 : i32
      %add3A_246 = arith.addi %mul3A_244, %add3A_245 : i32
      %get3A_247 = arith.index_cast %add3A_246 : i32 to index
      %get3A_248 = tpu.vector_load %arg8[%get3A_247] {strides = array<i32>} : memref<32768xf32, #tpu.memory_space<vmem>>, vector<16xf32>,
      %get3A_249 = arith.index_cast %add3A_228 : i32 to index
      %get3A_250 = arith.constant 16 : index
      %get3A_251 = tpu.vector_load %arg9[%get3A_249, %get3A_250] {strides = array<i32>} : memref<512x64xf32, #tpu.memory_space<vmem>>, vector<16xf32>,
      %sub3A_252 = arith.subf %get3A_248, %get3A_251 : vector<16xf32>
      %mul3A_253 = arith.mulf %sub3A_252, %sub3A_252 : vector<16xf32>
      %add3A_254 = arith.addf %add3A_242, %mul3A_253 : vector<16xf32>
      %mul3A_255 = arith.constant 64 : i32
      %mul3A_256 = arith.muli %add3A_228, %mul3A_255 : i32
      %add3A_257 = arith.constant 32 : i32
      %add3A_258 = arith.addi %mul3A_256, %add3A_257 : i32
      %get3A_259 = arith.index_cast %add3A_258 : i32 to index
      %get3A_260 = tpu.vector_load %arg8[%get3A_259] {strides = array<i32>} : memref<32768xf32, #tpu.memory_space<vmem>>, vector<16xf32>,
      %get3A_261 = arith.index_cast %add3A_228 : i32 to index
      %get3A_262 = arith.constant 32 : index
      %get3A_263 = tpu.vector_load %arg9[%get3A_261, %get3A_262] {strides = array<i32>} : memref<512x64xf32, #tpu.memory_space<vmem>>, vector<16xf32>,
      %sub3A_264 = arith.subf %get3A_260, %get3A_263 : vector<16xf32>
      %mul3A_265 = arith.mulf %sub3A_264, %sub3A_264 : vector<16xf32>
      %add3A_266 = arith.addf %add3A_254, %mul3A_265 : vector<16xf32>
      %mul3A_267 = arith.constant 64 : i32
      %mul3A_268 = arith.muli %add3A_228, %mul3A_267 : i32
      %add3A_269 = arith.constant 48 : i32
      %add3A_270 = arith.addi %mul3A_268, %add3A_269 : i32
      %get3A_271 = arith.index_cast %add3A_270 : i32 to index
      %get3A_272 = tpu.vector_load %arg8[%get3A_271] {strides = array<i32>} : memref<32768xf32, #tpu.memory_space<vmem>>, vector<16xf32>,
      %get3A_273 = arith.index_cast %add3A_228 : i32 to index
      %get3A_274 = arith.constant 48 : index
      %get3A_275 = tpu.vector_load %arg9[%get3A_273, %get3A_274] {strides = array<i32>} : memref<512x64xf32, #tpu.memory_space<vmem>>, vector<16xf32>,
      %sub3A_276 = arith.subf %get3A_272, %get3A_275 : vector<16xf32>
      %mul3A_277 = arith.mulf %sub3A_276, %sub3A_276 : vector<16xf32>
      %add3A_278 = arith.addf %add3A_266, %mul3A_277 : vector<16xf32>
      %add3A_279 = arith.addf %add3A_215, %add3A_278 : vector<16xf32>
      %eq3A_280 = arith.constant 2 : i32
      %eq3A_281 = vector.broadcast %eq3A_280 : i32 to vector<16xi32>
      %eq3A_282 = arith.cmpi eq, %iota3A, %eq3A_281 : vector<16xi32>
      %reduce_sum3A_283 = arith.constant true
      %reduce_sum3A_284 = vector.broadcast %reduce_sum3A_283 : i1 to vector<16xi1>
      %reduce_sum3A_285 = tpu.scan <sum>, %add3A_278 masked %reduce_sum3A_284 : vector<16xf32>, vector<16xi1> -> vector<16xf32>
      %reduce_sum3A_286 = vector.extract %reduce_sum3A_285[15] : f32 from vector<16xf32>
      %broadcast_in_dim3A_287 = vector.broadcast %reduce_sum3A_286 : f32 to vector<16xf32>
      %select_n3A_288 = arith.select %eq3A_282, %broadcast_in_dim3A_287, %select_n3A_224 : vector<16xi1>, vector<16xf32>
      %mul3A_289 = arith.constant 16 : i32
      %mul3A_290 = arith.muli %scan3A_98, %mul3A_289 : i32
      %add3A_291 = arith.constant 3 : i32
      %add3A_292 = arith.addi %mul3A_290, %add3A_291 : i32
      %broadcast_in_dim3A_293 = arith.constant 0.000000e+00 : f32
      %broadcast_in_dim3A_294 = vector.broadcast %broadcast_in_dim3A_293 : f32 to vector<16xf32>
      %mul3A_295 = arith.constant 64 : i32
      %mul3A_296 = arith.muli %add3A_292, %mul3A_295 : i32
      %add3A_297 = arith.constant 0 : i32
      %add3A_298 = arith.addi %mul3A_296, %add3A_297 : i32
      %get3A_299 = arith.index_cast %add3A_298 : i32 to index
      %get3A_300 = tpu.vector_load %arg8[%get3A_299] {strides = array<i32>} : memref<32768xf32, #tpu.memory_space<vmem>>, vector<16xf32>,
      %get3A_301 = arith.index_cast %add3A_292 : i32 to index
      %get3A_302 = arith.constant 0 : index
      %get3A_303 = tpu.vector_load %arg9[%get3A_301, %get3A_302] {strides = array<i32>} : memref<512x64xf32, #tpu.memory_space<vmem>>, vector<16xf32>,
      %sub3A_304 = arith.subf %get3A_300, %get3A_303 : vector<16xf32>
      %mul3A_305 = arith.mulf %sub3A_304, %sub3A_304 : vector<16xf32>
      %add3A_306 = arith.addf %broadcast_in_dim3A_294, %mul3A_305 : vector<16xf32>
      %mul3A_307 = arith.constant 64 : i32
      %mul3A_308 = arith.muli %add3A_292, %mul3A_307 : i32
      %add3A_309 = arith.constant 16 : i32
      %add3A_310 = arith.addi %mul3A_308, %add3A_309 : i32
      %get3A_311 = arith.index_cast %add3A_310 : i32 to index
      %get3A_312 = tpu.vector_load %arg8[%get3A_311] {strides = array<i32>} : memref<32768xf32, #tpu.memory_space<vmem>>, vector<16xf32>,
      %get3A_313 = arith.index_cast %add3A_292 : i32 to index
      %get3A_314 = arith.constant 16 : index
      %get3A_315 = tpu.vector_load %arg9[%get3A_313, %get3A_314] {strides = array<i32>} : memref<512x64xf32, #tpu.memory_space<vmem>>, vector<16xf32>,
      %sub3A_316 = arith.subf %get3A_312, %get3A_315 : vector<16xf32>
      %mul3A_317 = arith.mulf %sub3A_316, %sub3A_316 : vector<16xf32>
      %add3A_318 = arith.addf %add3A_306, %mul3A_317 : vector<16xf32>
      %mul3A_319 = arith.constant 64 : i32
      %mul3A_320 = arith.muli %add3A_292, %mul3A_319 : i32
      %add3A_321 = arith.constant 32 : i32
      %add3A_322 = arith.addi %mul3A_320, %add3A_321 : i32
      %get3A_323 = arith.index_cast %add3A_322 : i32 to index
      %get3A_324 = tpu.vector_load %arg8[%get3A_323] {strides = array<i32>} : memref<32768xf32, #tpu.memory_space<vmem>>, vector<16xf32>,
      %get3A_325 = arith.index_cast %add3A_292 : i32 to index
      %get3A_326 = arith.constant 32 : index
      %get3A_327 = tpu.vector_load %arg9[%get3A_325, %get3A_326] {strides = array<i32>} : memref<512x64xf32, #tpu.memory_space<vmem>>, vector<16xf32>,
      %sub3A_328 = arith.subf %get3A_324, %get3A_327 : vector<16xf32>
      %mul3A_329 = arith.mulf %sub3A_328, %sub3A_328 : vector<16xf32>
      %add3A_330 = arith.addf %add3A_318, %mul3A_329 : vector<16xf32>
      %mul3A_331 = arith.constant 64 : i32
      %mul3A_332 = arith.muli %add3A_292, %mul3A_331 : i32
      %add3A_333 = arith.constant 48 : i32
      %add3A_334 = arith.addi %mul3A_332, %add3A_333 : i32
      %get3A_335 = arith.index_cast %add3A_334 : i32 to index
      %get3A_336 = tpu.vector_load %arg8[%get3A_335] {strides = array<i32>} : memref<32768xf32, #tpu.memory_space<vmem>>, vector<16xf32>,
      %get3A_337 = arith.index_cast %add3A_292 : i32 to index
      %get3A_338 = arith.constant 48 : index
      %get3A_339 = tpu.vector_load %arg9[%get3A_337, %get3A_338] {strides = array<i32>} : memref<512x64xf32, #tpu.memory_space<vmem>>, vector<16xf32>,
      %sub3A_340 = arith.subf %get3A_336, %get3A_339 : vector<16xf32>
      %mul3A_341 = arith.mulf %sub3A_340, %sub3A_340 : vector<16xf32>
      %add3A_342 = arith.addf %add3A_330, %mul3A_341 : vector<16xf32>
      %add3A_343 = arith.addf %add3A_279, %add3A_342 : vector<16xf32>
      %eq3A_344 = arith.constant 3 : i32
      %eq3A_345 = vector.broadcast %eq3A_344 : i32 to vector<16xi32>
      %eq3A_346 = arith.cmpi eq, %iota3A, %eq3A_345 : vector<16xi32>
      %reduce_sum3A_347 = arith.constant true
      %reduce_sum3A_348 = vector.broadcast %reduce_sum3A_347 : i1 to vector<16xi1>
      %reduce_sum3A_349 = tpu.scan <sum>, %add3A_342 masked %reduce_sum3A_348 : vector<16xf32>, vector<16xi1> -> vector<16xf32>
      %reduce_sum3A_350 = vector.extract %reduce_sum3A_349[15] : f32 from vector<16xf32>
      %broadcast_in_dim3A_351 = vector.broadcast %reduce_sum3A_350 : f32 to vector<16xf32>
      %select_n3A_352 = arith.select %eq3A_346, %broadcast_in_dim3A_351, %select_n3A_288 : vector<16xi1>, vector<16xf32>
      %mul3A_353 = arith.constant 16 : i32
      %mul3A_354 = arith.muli %scan3A_98, %mul3A_353 : i32
      %add3A_355 = arith.constant 4 : i32
      %add3A_356 = arith.addi %mul3A_354, %add3A_355 : i32
      %broadcast_in_dim3A_357 = arith.constant 0.000000e+00 : f32
      %broadcast_in_dim3A_358 = vector.broadcast %broadcast_in_dim3A_357 : f32 to vector<16xf32>
      %mul3A_359 = arith.constant 64 : i32
      %mul3A_360 = arith.muli %add3A_356, %mul3A_359 : i32
      %add3A_361 = arith.constant 0 : i32
      %add3A_362 = arith.addi %mul3A_360, %add3A_361 : i32
      %get3A_363 = arith.index_cast %add3A_362 : i32 to index
      %get3A_364 = tpu.vector_load %arg8[%get3A_363] {strides = array<i32>} : memref<32768xf32, #tpu.memory_space<vmem>>, vector<16xf32>,
      %get3A_365 = arith.index_cast %add3A_356 : i32 to index
      %get3A_366 = arith.constant 0 : index
      %get3A_367 = tpu.vector_load %arg9[%get3A_365, %get3A_366] {strides = array<i32>} : memref<512x64xf32, #tpu.memory_space<vmem>>, vector<16xf32>,
      %sub3A_368 = arith.subf %get3A_364, %get3A_367 : vector<16xf32>
      %mul3A_369 = arith.mulf %sub3A_368, %sub3A_368 : vector<16xf32>
      %add3A_370 = arith.addf %broadcast_in_dim3A_358, %mul3A_369 : vector<16xf32>
      %mul3A_371 = arith.constant 64 : i32
      %mul3A_372 = arith.muli %add3A_356, %mul3A_371 : i32
      %add3A_373 = arith.constant 16 : i32
      %add3A_374 = arith.addi %mul3A_372, %add3A_373 : i32
      %get3A_375 = arith.index_cast %add3A_374 : i32 to index
      %get3A_376 = tpu.vector_load %arg8[%get3A_375] {strides = array<i32>} : memref<32768xf32, #tpu.memory_space<vmem>>, vector<16xf32>,
      %get3A_377 = arith.index_cast %add3A_356 : i32 to index
      %get3A_378 = arith.constant 16 : index
      %get3A_379 = tpu.vector_load %arg9[%get3A_377, %get3A_378] {strides = array<i32>} : memref<512x64xf32, #tpu.memory_space<vmem>>, vector<16xf32>,
      %sub3A_380 = arith.subf %get3A_376, %get3A_379 : vector<16xf32>
      %mul3A_381 = arith.mulf %sub3A_380, %sub3A_380 : vector<16xf32>
      %add3A_382 = arith.addf %add3A_370, %mul3A_381 : vector<16xf32>
      %mul3A_383 = arith.constant 64 : i32
      %mul3A_384 = arith.muli %add3A_356, %mul3A_383 : i32
      %add3A_385 = arith.constant 32 : i32
      %add3A_386 = arith.addi %mul3A_384, %add3A_385 : i32
      %get3A_387 = arith.index_cast %add3A_386 : i32 to index
      %get3A_388 = tpu.vector_load %arg8[%get3A_387] {strides = array<i32>} : memref<32768xf32, #tpu.memory_space<vmem>>, vector<16xf32>,
      %get3A_389 = arith.index_cast %add3A_356 : i32 to index
      %get3A_390 = arith.constant 32 : index
      %get3A_391 = tpu.vector_load %arg9[%get3A_389, %get3A_390] {strides = array<i32>} : memref<512x64xf32, #tpu.memory_space<vmem>>, vector<16xf32>,
      %sub3A_392 = arith.subf %get3A_388, %get3A_391 : vector<16xf32>
      %mul3A_393 = arith.mulf %sub3A_392, %sub3A_392 : vector<16xf32>
      %add3A_394 = arith.addf %add3A_382, %mul3A_393 : vector<16xf32>
      %mul3A_395 = arith.constant 64 : i32
      %mul3A_396 = arith.muli %add3A_356, %mul3A_395 : i32
      %add3A_397 = arith.constant 48 : i32
      %add3A_398 = arith.addi %mul3A_396, %add3A_397 : i32
      %get3A_399 = arith.index_cast %add3A_398 : i32 to index
      %get3A_400 = tpu.vector_load %arg8[%get3A_399] {strides = array<i32>} : memref<32768xf32, #tpu.memory_space<vmem>>, vector<16xf32>,
      %get3A_401 = arith.index_cast %add3A_356 : i32 to index
      %get3A_402 = arith.constant 48 : index
      %get3A_403 = tpu.vector_load %arg9[%get3A_401, %get3A_402] {strides = array<i32>} : memref<512x64xf32, #tpu.memory_space<vmem>>, vector<16xf32>,
      %sub3A_404 = arith.subf %get3A_400, %get3A_403 : vector<16xf32>
      %mul3A_405 = arith.mulf %sub3A_404, %sub3A_404 : vector<16xf32>
      %add3A_406 = arith.addf %add3A_394, %mul3A_405 : vector<16xf32>
      %add3A_407 = arith.addf %add3A_343, %add3A_406 : vector<16xf32>
      %eq3A_408 = arith.constant 4 : i32
      %eq3A_409 = vector.broadcast %eq3A_408 : i32 to vector<16xi32>
      %eq3A_410 = arith.cmpi eq, %iota3A, %eq3A_409 : vector<16xi32>
      %reduce_sum3A_411 = arith.constant true
      %reduce_sum3A_412 = vector.broadcast %reduce_sum3A_411 : i1 to vector<16xi1>
      %reduce_sum3A_413 = tpu.scan <sum>, %add3A_406 masked %reduce_sum3A_412 : vector<16xf32>, vector<16xi1> -> vector<16xf32>
      %reduce_sum3A_414 = vector.extract %reduce_sum3A_413[15] : f32 from vector<16xf32>
      %broadcast_in_dim3A_415 = vector.broadcast %reduce_sum3A_414 : f32 to vector<16xf32>
      %select_n3A_416 = arith.select %eq3A_410, %broadcast_in_dim3A_415, %select_n3A_352 : vector<16xi1>, vector<16xf32>
      %mul3A_417 = arith.constant 16 : i32
      %mul3A_418 = arith.muli %scan3A_98, %mul3A_417 : i32
      %add3A_419 = arith.constant 5 : i32
      %add3A_420 = arith.addi %mul3A_418, %add3A_419 : i32
      %broadcast_in_dim3A_421 = arith.constant 0.000000e+00 : f32
      %broadcast_in_dim3A_422 = vector.broadcast %broadcast_in_dim3A_421 : f32 to vector<16xf32>
      %mul3A_423 = arith.constant 64 : i32
      %mul3A_424 = arith.muli %add3A_420, %mul3A_423 : i32
      %add3A_425 = arith.constant 0 : i32
      %add3A_426 = arith.addi %mul3A_424, %add3A_425 : i32
      %get3A_427 = arith.index_cast %add3A_426 : i32 to index
      %get3A_428 = tpu.vector_load %arg8[%get3A_427] {strides = array<i32>} : memref<32768xf32, #tpu.memory_space<vmem>>, vector<16xf32>,
      %get3A_429 = arith.index_cast %add3A_420 : i32 to index
      %get3A_430 = arith.constant 0 : index
      %get3A_431 = tpu.vector_load %arg9[%get3A_429, %get3A_430] {strides = array<i32>} : memref<512x64xf32, #tpu.memory_space<vmem>>, vector<16xf32>,
      %sub3A_432 = arith.subf %get3A_428, %get3A_431 : vector<16xf32>
      %mul3A_433 = arith.mulf %sub3A_432, %sub3A_432 : vector<16xf32>
      %add3A_434 = arith.addf %broadcast_in_dim3A_422, %mul3A_433 : vector<16xf32>
      %mul3A_435 = arith.constant 64 : i32
      %mul3A_436 = arith.muli %add3A_420, %mul3A_435 : i32
      %add3A_437 = arith.constant 16 : i32
      %add3A_438 = arith.addi %mul3A_436, %add3A_437 : i32
      %get3A_439 = arith.index_cast %add3A_438 : i32 to index
      %get3A_440 = tpu.vector_load %arg8[%get3A_439] {strides = array<i32>} : memref<32768xf32, #tpu.memory_space<vmem>>, vector<16xf32>,
      %get3A_441 = arith.index_cast %add3A_420 : i32 to index
      %get3A_442 = arith.constant 16 : index
      %get3A_443 = tpu.vector_load %arg9[%get3A_441, %get3A_442] {strides = array<i32>} : memref<512x64xf32, #tpu.memory_space<vmem>>, vector<16xf32>,
      %sub3A_444 = arith.subf %get3A_440, %get3A_443 : vector<16xf32>
      %mul3A_445 = arith.mulf %sub3A_444, %sub3A_444 : vector<16xf32>
      %add3A_446 = arith.addf %add3A_434, %mul3A_445 : vector<16xf32>
      %mul3A_447 = arith.constant 64 : i32
      %mul3A_448 = arith.muli %add3A_420, %mul3A_447 : i32
      %add3A_449 = arith.constant 32 : i32
      %add3A_450 = arith.addi %mul3A_448, %add3A_449 : i32
      %get3A_451 = arith.index_cast %add3A_450 : i32 to index
      %get3A_452 = tpu.vector_load %arg8[%get3A_451] {strides = array<i32>} : memref<32768xf32, #tpu.memory_space<vmem>>, vector<16xf32>,
      %get3A_453 = arith.index_cast %add3A_420 : i32 to index
      %get3A_454 = arith.constant 32 : index
      %get3A_455 = tpu.vector_load %arg9[%get3A_453, %get3A_454] {strides = array<i32>} : memref<512x64xf32, #tpu.memory_space<vmem>>, vector<16xf32>,
      %sub3A_456 = arith.subf %get3A_452, %get3A_455 : vector<16xf32>
      %mul3A_457 = arith.mulf %sub3A_456, %sub3A_456 : vector<16xf32>
      %add3A_458 = arith.addf %add3A_446, %mul3A_457 : vector<16xf32>
      %mul3A_459 = arith.constant 64 : i32
      %mul3A_460 = arith.muli %add3A_420, %mul3A_459 : i32
      %add3A_461 = arith.constant 48 : i32
      %add3A_462 = arith.addi %mul3A_460, %add3A_461 : i32
      %get3A_463 = arith.index_cast %add3A_462 : i32 to index
      %get3A_464 = tpu.vector_load %arg8[%get3A_463] {strides = array<i32>} : memref<32768xf32, #tpu.memory_space<vmem>>, vector<16xf32>,
      %get3A_465 = arith.index_cast %add3A_420 : i32 to index
      %get3A_466 = arith.constant 48 : index
      %get3A_467 = tpu.vector_load %arg9[%get3A_465, %get3A_466] {strides = array<i32>} : memref<512x64xf32, #tpu.memory_space<vmem>>, vector<16xf32>,
      %sub3A_468 = arith.subf %get3A_464, %get3A_467 : vector<16xf32>
      %mul3A_469 = arith.mulf %sub3A_468, %sub3A_468 : vector<16xf32>
      %add3A_470 = arith.addf %add3A_458, %mul3A_469 : vector<16xf32>
      %add3A_471 = arith.addf %add3A_407, %add3A_470 : vector<16xf32>
      %eq3A_472 = arith.constant 5 : i32
      %eq3A_473 = vector.broadcast %eq3A_472 : i32 to vector<16xi32>
      %eq3A_474 = arith.cmpi eq, %iota3A, %eq3A_473 : vector<16xi32>
      %reduce_sum3A_475 = arith.constant true
      %reduce_sum3A_476 = vector.broadcast %reduce_sum3A_475 : i1 to vector<16xi1>
      %reduce_sum3A_477 = tpu.scan <sum>, %add3A_470 masked %reduce_sum3A_476 : vector<16xf32>, vector<16xi1> -> vector<16xf32>
      %reduce_sum3A_478 = vector.extract %reduce_sum3A_477[15] : f32 from vector<16xf32>
      %broadcast_in_dim3A_479 = vector.broadcast %reduce_sum3A_478 : f32 to vector<16xf32>
      %select_n3A_480 = arith.select %eq3A_474, %broadcast_in_dim3A_479, %select_n3A_416 : vector<16xi1>, vector<16xf32>
      %mul3A_481 = arith.constant 16 : i32
      %mul3A_482 = arith.muli %scan3A_98, %mul3A_481 : i32
      %add3A_483 = arith.constant 6 : i32
      %add3A_484 = arith.addi %mul3A_482, %add3A_483 : i32
      %broadcast_in_dim3A_485 = arith.constant 0.000000e+00 : f32
      %broadcast_in_dim3A_486 = vector.broadcast %broadcast_in_dim3A_485 : f32 to vector<16xf32>
      %mul3A_487 = arith.constant 64 : i32
      %mul3A_488 = arith.muli %add3A_484, %mul3A_487 : i32
      %add3A_489 = arith.constant 0 : i32
      %add3A_490 = arith.addi %mul3A_488, %add3A_489 : i32
      %get3A_491 = arith.index_cast %add3A_490 : i32 to index
      %get3A_492 = tpu.vector_load %arg8[%get3A_491] {strides = array<i32>} : memref<32768xf32, #tpu.memory_space<vmem>>, vector<16xf32>,
      %get3A_493 = arith.index_cast %add3A_484 : i32 to index
      %get3A_494 = arith.constant 0 : index
      %get3A_495 = tpu.vector_load %arg9[%get3A_493, %get3A_494] {strides = array<i32>} : memref<512x64xf32, #tpu.memory_space<vmem>>, vector<16xf32>,
      %sub3A_496 = arith.subf %get3A_492, %get3A_495 : vector<16xf32>
      %mul3A_497 = arith.mulf %sub3A_496, %sub3A_496 : vector<16xf32>
      %add3A_498 = arith.addf %broadcast_in_dim3A_486, %mul3A_497 : vector<16xf32>
      %mul3A_499 = arith.constant 64 : i32
      %mul3A_500 = arith.muli %add3A_484, %mul3A_499 : i32
      %add3A_501 = arith.constant 16 : i32
      %add3A_502 = arith.addi %mul3A_500, %add3A_501 : i32
      %get3A_503 = arith.index_cast %add3A_502 : i32 to index
      %get3A_504 = tpu.vector_load %arg8[%get3A_503] {strides = array<i32>} : memref<32768xf32, #tpu.memory_space<vmem>>, vector<16xf32>,
      %get3A_505 = arith.index_cast %add3A_484 : i32 to index
      %get3A_506 = arith.constant 16 : index
      %get3A_507 = tpu.vector_load %arg9[%get3A_505, %get3A_506] {strides = array<i32>} : memref<512x64xf32, #tpu.memory_space<vmem>>, vector<16xf32>,
      %sub3A_508 = arith.subf %get3A_504, %get3A_507 : vector<16xf32>
      %mul3A_509 = arith.mulf %sub3A_508, %sub3A_508 : vector<16xf32>
      %add3A_510 = arith.addf %add3A_498, %mul3A_509 : vector<16xf32>
      %mul3A_511 = arith.constant 64 : i32
      %mul3A_512 = arith.muli %add3A_484, %mul3A_511 : i32
      %add3A_513 = arith.constant 32 : i32
      %add3A_514 = arith.addi %mul3A_512, %add3A_513 : i32
      %get3A_515 = arith.index_cast %add3A_514 : i32 to index
      %get3A_516 = tpu.vector_load %arg8[%get3A_515] {strides = array<i32>} : memref<32768xf32, #tpu.memory_space<vmem>>, vector<16xf32>,
      %get3A_517 = arith.index_cast %add3A_484 : i32 to index
      %get3A_518 = arith.constant 32 : index
      %get3A_519 = tpu.vector_load %arg9[%get3A_517, %get3A_518] {strides = array<i32>} : memref<512x64xf32, #tpu.memory_space<vmem>>, vector<16xf32>,
      %sub3A_520 = arith.subf %get3A_516, %get3A_519 : vector<16xf32>
      %mul3A_521 = arith.mulf %sub3A_520, %sub3A_520 : vector<16xf32>
      %add3A_522 = arith.addf %add3A_510, %mul3A_521 : vector<16xf32>
      %mul3A_523 = arith.constant 64 : i32
      %mul3A_524 = arith.muli %add3A_484, %mul3A_523 : i32
      %add3A_525 = arith.constant 48 : i32
      %add3A_526 = arith.addi %mul3A_524, %add3A_525 : i32
      %get3A_527 = arith.index_cast %add3A_526 : i32 to index
      %get3A_528 = tpu.vector_load %arg8[%get3A_527] {strides = array<i32>} : memref<32768xf32, #tpu.memory_space<vmem>>, vector<16xf32>,
      %get3A_529 = arith.index_cast %add3A_484 : i32 to index
      %get3A_530 = arith.constant 48 : index
      %get3A_531 = tpu.vector_load %arg9[%get3A_529, %get3A_530] {strides = array<i32>} : memref<512x64xf32, #tpu.memory_space<vmem>>, vector<16xf32>,
      %sub3A_532 = arith.subf %get3A_528, %get3A_531 : vector<16xf32>
      %mul3A_533 = arith.mulf %sub3A_532, %sub3A_532 : vector<16xf32>
      %add3A_534 = arith.addf %add3A_522, %mul3A_533 : vector<16xf32>
      %add3A_535 = arith.addf %add3A_471, %add3A_534 : vector<16xf32>
      %eq3A_536 = arith.constant 6 : i32
      %eq3A_537 = vector.broadcast %eq3A_536 : i32 to vector<16xi32>
      %eq3A_538 = arith.cmpi eq, %iota3A, %eq3A_537 : vector<16xi32>
      %reduce_sum3A_539 = arith.constant true
      %reduce_sum3A_540 = vector.broadcast %reduce_sum3A_539 : i1 to vector<16xi1>
      %reduce_sum3A_541 = tpu.scan <sum>, %add3A_534 masked %reduce_sum3A_540 : vector<16xf32>, vector<16xi1> -> vector<16xf32>
      %reduce_sum3A_542 = vector.extract %reduce_sum3A_541[15] : f32 from vector<16xf32>
      %broadcast_in_dim3A_543 = vector.broadcast %reduce_sum3A_542 : f32 to vector<16xf32>
      %select_n3A_544 = arith.select %eq3A_538, %broadcast_in_dim3A_543, %select_n3A_480 : vector<16xi1>, vector<16xf32>
      %mul3A_545 = arith.constant 16 : i32
      %mul3A_546 = arith.muli %scan3A_98, %mul3A_545 : i32
      %add3A_547 = arith.constant 7 : i32
      %add3A_548 = arith.addi %mul3A_546, %add3A_547 : i32
      %broadcast_in_dim3A_549 = arith.constant 0.000000e+00 : f32
      %broadcast_in_dim3A_550 = vector.broadcast %broadcast_in_dim3A_549 : f32 to vector<16xf32>
      %mul3A_551 = arith.constant 64 : i32
      %mul3A_552 = arith.muli %add3A_548, %mul3A_551 : i32
      %add3A_553 = arith.constant 0 : i32
      %add3A_554 = arith.addi %mul3A_552, %add3A_553 : i32
      %get3A_555 = arith.index_cast %add3A_554 : i32 to index
      %get3A_556 = tpu.vector_load %arg8[%get3A_555] {strides = array<i32>} : memref<32768xf32, #tpu.memory_space<vmem>>, vector<16xf32>,
      %get3A_557 = arith.index_cast %add3A_548 : i32 to index
      %get3A_558 = arith.constant 0 : index
      %get3A_559 = tpu.vector_load %arg9[%get3A_557, %get3A_558] {strides = array<i32>} : memref<512x64xf32, #tpu.memory_space<vmem>>, vector<16xf32>,
      %sub3A_560 = arith.subf %get3A_556, %get3A_559 : vector<16xf32>
      %mul3A_561 = arith.mulf %sub3A_560, %sub3A_560 : vector<16xf32>
      %add3A_562 = arith.addf %broadcast_in_dim3A_550, %mul3A_561 : vector<16xf32>
      %mul3A_563 = arith.constant 64 : i32
      %mul3A_564 = arith.muli %add3A_548, %mul3A_563 : i32
      %add3A_565 = arith.constant 16 : i32
      %add3A_566 = arith.addi %mul3A_564, %add3A_565 : i32
      %get3A_567 = arith.index_cast %add3A_566 : i32 to index
      %get3A_568 = tpu.vector_load %arg8[%get3A_567] {strides = array<i32>} : memref<32768xf32, #tpu.memory_space<vmem>>, vector<16xf32>,
      %get3A_569 = arith.index_cast %add3A_548 : i32 to index
      %get3A_570 = arith.constant 16 : index
      %get3A_571 = tpu.vector_load %arg9[%get3A_569, %get3A_570] {strides = array<i32>} : memref<512x64xf32, #tpu.memory_space<vmem>>, vector<16xf32>,
      %sub3A_572 = arith.subf %get3A_568, %get3A_571 : vector<16xf32>
      %mul3A_573 = arith.mulf %sub3A_572, %sub3A_572 : vector<16xf32>
      %add3A_574 = arith.addf %add3A_562, %mul3A_573 : vector<16xf32>
      %mul3A_575 = arith.constant 64 : i32
      %mul3A_576 = arith.muli %add3A_548, %mul3A_575 : i32
      %add3A_577 = arith.constant 32 : i32
      %add3A_578 = arith.addi %mul3A_576, %add3A_577 : i32
      %get3A_579 = arith.index_cast %add3A_578 : i32 to index
      %get3A_580 = tpu.vector_load %arg8[%get3A_579] {strides = array<i32>} : memref<32768xf32, #tpu.memory_space<vmem>>, vector<16xf32>,
      %get3A_581 = arith.index_cast %add3A_548 : i32 to index
      %get3A_582 = arith.constant 32 : index
      %get3A_583 = tpu.vector_load %arg9[%get3A_581, %get3A_582] {strides = array<i32>} : memref<512x64xf32, #tpu.memory_space<vmem>>, vector<16xf32>,
      %sub3A_584 = arith.subf %get3A_580, %get3A_583 : vector<16xf32>
      %mul3A_585 = arith.mulf %sub3A_584, %sub3A_584 : vector<16xf32>
      %add3A_586 = arith.addf %add3A_574, %mul3A_585 : vector<16xf32>
      %mul3A_587 = arith.constant 64 : i32
      %mul3A_588 = arith.muli %add3A_548, %mul3A_587 : i32
      %add3A_589 = arith.constant 48 : i32
      %add3A_590 = arith.addi %mul3A_588, %add3A_589 : i32
      %get3A_591 = arith.index_cast %add3A_590 : i32 to index
      %get3A_592 = tpu.vector_load %arg8[%get3A_591] {strides = array<i32>} : memref<32768xf32, #tpu.memory_space<vmem>>, vector<16xf32>,
      %get3A_593 = arith.index_cast %add3A_548 : i32 to index
      %get3A_594 = arith.constant 48 : index
      %get3A_595 = tpu.vector_load %arg9[%get3A_593, %get3A_594] {strides = array<i32>} : memref<512x64xf32, #tpu.memory_space<vmem>>, vector<16xf32>,
      %sub3A_596 = arith.subf %get3A_592, %get3A_595 : vector<16xf32>
      %mul3A_597 = arith.mulf %sub3A_596, %sub3A_596 : vector<16xf32>
      %add3A_598 = arith.addf %add3A_586, %mul3A_597 : vector<16xf32>
      %add3A_599 = arith.addf %add3A_535, %add3A_598 : vector<16xf32>
      %eq3A_600 = arith.constant 7 : i32
      %eq3A_601 = vector.broadcast %eq3A_600 : i32 to vector<16xi32>
      %eq3A_602 = arith.cmpi eq, %iota3A, %eq3A_601 : vector<16xi32>
      %reduce_sum3A_603 = arith.constant true
      %reduce_sum3A_604 = vector.broadcast %reduce_sum3A_603 : i1 to vector<16xi1>
      %reduce_sum3A_605 = tpu.scan <sum>, %add3A_598 masked %reduce_sum3A_604 : vector<16xf32>, vector<16xi1> -> vector<16xf32>
      %reduce_sum3A_606 = vector.extract %reduce_sum3A_605[15] : f32 from vector<16xf32>
      %broadcast_in_dim3A_607 = vector.broadcast %reduce_sum3A_606 : f32 to vector<16xf32>
      %select_n3A_608 = arith.select %eq3A_602, %broadcast_in_dim3A_607, %select_n3A_544 : vector<16xi1>, vector<16xf32>
      %mul3A_609 = arith.constant 16 : i32
      %mul3A_610 = arith.muli %scan3A_98, %mul3A_609 : i32
      %add3A_611 = arith.constant 8 : i32
      %add3A_612 = arith.addi %mul3A_610, %add3A_611 : i32
      %broadcast_in_dim3A_613 = arith.constant 0.000000e+00 : f32
      %broadcast_in_dim3A_614 = vector.broadcast %broadcast_in_dim3A_613 : f32 to vector<16xf32>
      %mul3A_615 = arith.constant 64 : i32
      %mul3A_616 = arith.muli %add3A_612, %mul3A_615 : i32
      %add3A_617 = arith.constant 0 : i32
      %add3A_618 = arith.addi %mul3A_616, %add3A_617 : i32
      %get3A_619 = arith.index_cast %add3A_618 : i32 to index
      %get3A_620 = tpu.vector_load %arg8[%get3A_619] {strides = array<i32>} : memref<32768xf32, #tpu.memory_space<vmem>>, vector<16xf32>,
      %get3A_621 = arith.index_cast %add3A_612 : i32 to index
      %get3A_622 = arith.constant 0 : index
      %get3A_623 = tpu.vector_load %arg9[%get3A_621, %get3A_622] {strides = array<i32>} : memref<512x64xf32, #tpu.memory_space<vmem>>, vector<16xf32>,
      %sub3A_624 = arith.subf %get3A_620, %get3A_623 : vector<16xf32>
      %mul3A_625 = arith.mulf %sub3A_624, %sub3A_624 : vector<16xf32>
      %add3A_626 = arith.addf %broadcast_in_dim3A_614, %mul3A_625 : vector<16xf32>
      %mul3A_627 = arith.constant 64 : i32
      %mul3A_628 = arith.muli %add3A_612, %mul3A_627 : i32
      %add3A_629 = arith.constant 16 : i32
      %add3A_630 = arith.addi %mul3A_628, %add3A_629 : i32
      %get3A_631 = arith.index_cast %add3A_630 : i32 to index
      %get3A_632 = tpu.vector_load %arg8[%get3A_631] {strides = array<i32>} : memref<32768xf32, #tpu.memory_space<vmem>>, vector<16xf32>,
      %get3A_633 = arith.index_cast %add3A_612 : i32 to index
      %get3A_634 = arith.constant 16 : index
      %get3A_635 = tpu.vector_load %arg9[%get3A_633, %get3A_634] {strides = array<i32>} : memref<512x64xf32, #tpu.memory_space<vmem>>, vector<16xf32>,
      %sub3A_636 = arith.subf %get3A_632, %get3A_635 : vector<16xf32>
      %mul3A_637 = arith.mulf %sub3A_636, %sub3A_636 : vector<16xf32>
      %add3A_638 = arith.addf %add3A_626, %mul3A_637 : vector<16xf32>
      %mul3A_639 = arith.constant 64 : i32
      %mul3A_640 = arith.muli %add3A_612, %mul3A_639 : i32
      %add3A_641 = arith.constant 32 : i32
      %add3A_642 = arith.addi %mul3A_640, %add3A_641 : i32
      %get3A_643 = arith.index_cast %add3A_642 : i32 to index
      %get3A_644 = tpu.vector_load %arg8[%get3A_643] {strides = array<i32>} : memref<32768xf32, #tpu.memory_space<vmem>>, vector<16xf32>,
      %get3A_645 = arith.index_cast %add3A_612 : i32 to index
      %get3A_646 = arith.constant 32 : index
      %get3A_647 = tpu.vector_load %arg9[%get3A_645, %get3A_646] {strides = array<i32>} : memref<512x64xf32, #tpu.memory_space<vmem>>, vector<16xf32>,
      %sub3A_648 = arith.subf %get3A_644, %get3A_647 : vector<16xf32>
      %mul3A_649 = arith.mulf %sub3A_648, %sub3A_648 : vector<16xf32>
      %add3A_650 = arith.addf %add3A_638, %mul3A_649 : vector<16xf32>
      %mul3A_651 = arith.constant 64 : i32
      %mul3A_652 = arith.muli %add3A_612, %mul3A_651 : i32
      %add3A_653 = arith.constant 48 : i32
      %add3A_654 = arith.addi %mul3A_652, %add3A_653 : i32
      %get3A_655 = arith.index_cast %add3A_654 : i32 to index
      %get3A_656 = tpu.vector_load %arg8[%get3A_655] {strides = array<i32>} : memref<32768xf32, #tpu.memory_space<vmem>>, vector<16xf32>,
      %get3A_657 = arith.index_cast %add3A_612 : i32 to index
      %get3A_658 = arith.constant 48 : index
      %get3A_659 = tpu.vector_load %arg9[%get3A_657, %get3A_658] {strides = array<i32>} : memref<512x64xf32, #tpu.memory_space<vmem>>, vector<16xf32>,
      %sub3A_660 = arith.subf %get3A_656, %get3A_659 : vector<16xf32>
      %mul3A_661 = arith.mulf %sub3A_660, %sub3A_660 : vector<16xf32>
      %add3A_662 = arith.addf %add3A_650, %mul3A_661 : vector<16xf32>
      %add3A_663 = arith.addf %add3A_599, %add3A_662 : vector<16xf32>
      %eq3A_664 = arith.constant 8 : i32
      %eq3A_665 = vector.broadcast %eq3A_664 : i32 to vector<16xi32>
      %eq3A_666 = arith.cmpi eq, %iota3A, %eq3A_665 : vector<16xi32>
      %reduce_sum3A_667 = arith.constant true
      %reduce_sum3A_668 = vector.broadcast %reduce_sum3A_667 : i1 to vector<16xi1>
      %reduce_sum3A_669 = tpu.scan <sum>, %add3A_662 masked %reduce_sum3A_668 : vector<16xf32>, vector<16xi1> -> vector<16xf32>
      %reduce_sum3A_670 = vector.extract %reduce_sum3A_669[15] : f32 from vector<16xf32>
      %broadcast_in_dim3A_671 = vector.broadcast %reduce_sum3A_670 : f32 to vector<16xf32>
      %select_n3A_672 = arith.select %eq3A_666, %broadcast_in_dim3A_671, %select_n3A_608 : vector<16xi1>, vector<16xf32>
      %mul3A_673 = arith.constant 16 : i32
      %mul3A_674 = arith.muli %scan3A_98, %mul3A_673 : i32
      %add3A_675 = arith.constant 9 : i32
      %add3A_676 = arith.addi %mul3A_674, %add3A_675 : i32
      %broadcast_in_dim3A_677 = arith.constant 0.000000e+00 : f32
      %broadcast_in_dim3A_678 = vector.broadcast %broadcast_in_dim3A_677 : f32 to vector<16xf32>
      %mul3A_679 = arith.constant 64 : i32
      %mul3A_680 = arith.muli %add3A_676, %mul3A_679 : i32
      %add3A_681 = arith.constant 0 : i32
      %add3A_682 = arith.addi %mul3A_680, %add3A_681 : i32
      %get3A_683 = arith.index_cast %add3A_682 : i32 to index
      %get3A_684 = tpu.vector_load %arg8[%get3A_683] {strides = array<i32>} : memref<32768xf32, #tpu.memory_space<vmem>>, vector<16xf32>,
      %get3A_685 = arith.index_cast %add3A_676 : i32 to index
      %get3A_686 = arith.constant 0 : index
      %get3A_687 = tpu.vector_load %arg9[%get3A_685, %get3A_686] {strides = array<i32>} : memref<512x64xf32, #tpu.memory_space<vmem>>, vector<16xf32>,
      %sub3A_688 = arith.subf %get3A_684, %get3A_687 : vector<16xf32>
      %mul3A_689 = arith.mulf %sub3A_688, %sub3A_688 : vector<16xf32>
      %add3A_690 = arith.addf %broadcast_in_dim3A_678, %mul3A_689 : vector<16xf32>
      %mul3A_691 = arith.constant 64 : i32
      %mul3A_692 = arith.muli %add3A_676, %mul3A_691 : i32
      %add3A_693 = arith.constant 16 : i32
      %add3A_694 = arith.addi %mul3A_692, %add3A_693 : i32
      %get3A_695 = arith.index_cast %add3A_694 : i32 to index
      %get3A_696 = tpu.vector_load %arg8[%get3A_695] {strides = array<i32>} : memref<32768xf32, #tpu.memory_space<vmem>>, vector<16xf32>,
      %get3A_697 = arith.index_cast %add3A_676 : i32 to index
      %get3A_698 = arith.constant 16 : index
      %get3A_699 = tpu.vector_load %arg9[%get3A_697, %get3A_698] {strides = array<i32>} : memref<512x64xf32, #tpu.memory_space<vmem>>, vector<16xf32>,
      %sub3A_700 = arith.subf %get3A_696, %get3A_699 : vector<16xf32>
      %mul3A_701 = arith.mulf %sub3A_700, %sub3A_700 : vector<16xf32>
      %add3A_702 = arith.addf %add3A_690, %mul3A_701 : vector<16xf32>
      %mul3A_703 = arith.constant 64 : i32
      %mul3A_704 = arith.muli %add3A_676, %mul3A_703 : i32
      %add3A_705 = arith.constant 32 : i32
      %add3A_706 = arith.addi %mul3A_704, %add3A_705 : i32
      %get3A_707 = arith.index_cast %add3A_706 : i32 to index
      %get3A_708 = tpu.vector_load %arg8[%get3A_707] {strides = array<i32>} : memref<32768xf32, #tpu.memory_space<vmem>>, vector<16xf32>,
      %get3A_709 = arith.index_cast %add3A_676 : i32 to index
      %get3A_710 = arith.constant 32 : index
      %get3A_711 = tpu.vector_load %arg9[%get3A_709, %get3A_710] {strides = array<i32>} : memref<512x64xf32, #tpu.memory_space<vmem>>, vector<16xf32>,
      %sub3A_712 = arith.subf %get3A_708, %get3A_711 : vector<16xf32>
      %mul3A_713 = arith.mulf %sub3A_712, %sub3A_712 : vector<16xf32>
      %add3A_714 = arith.addf %add3A_702, %mul3A_713 : vector<16xf32>
      %mul3A_715 = arith.constant 64 : i32
      %mul3A_716 = arith.muli %add3A_676, %mul3A_715 : i32
      %add3A_717 = arith.constant 48 : i32
      %add3A_718 = arith.addi %mul3A_716, %add3A_717 : i32
      %get3A_719 = arith.index_cast %add3A_718 : i32 to index
      %get3A_720 = tpu.vector_load %arg8[%get3A_719] {strides = array<i32>} : memref<32768xf32, #tpu.memory_space<vmem>>, vector<16xf32>,
      %get3A_721 = arith.index_cast %add3A_676 : i32 to index
      %get3A_722 = arith.constant 48 : index
      %get3A_723 = tpu.vector_load %arg9[%get3A_721, %get3A_722] {strides = array<i32>} : memref<512x64xf32, #tpu.memory_space<vmem>>, vector<16xf32>,
      %sub3A_724 = arith.subf %get3A_720, %get3A_723 : vector<16xf32>
      %mul3A_725 = arith.mulf %sub3A_724, %sub3A_724 : vector<16xf32>
      %add3A_726 = arith.addf %add3A_714, %mul3A_725 : vector<16xf32>
      %add3A_727 = arith.addf %add3A_663, %add3A_726 : vector<16xf32>
      %eq3A_728 = arith.constant 9 : i32
      %eq3A_729 = vector.broadcast %eq3A_728 : i32 to vector<16xi32>
      %eq3A_730 = arith.cmpi eq, %iota3A, %eq3A_729 : vector<16xi32>
      %reduce_sum3A_731 = arith.constant true
      %reduce_sum3A_732 = vector.broadcast %reduce_sum3A_731 : i1 to vector<16xi1>
      %reduce_sum3A_733 = tpu.scan <sum>, %add3A_726 masked %reduce_sum3A_732 : vector<16xf32>, vector<16xi1> -> vector<16xf32>
      %reduce_sum3A_734 = vector.extract %reduce_sum3A_733[15] : f32 from vector<16xf32>
      %broadcast_in_dim3A_735 = vector.broadcast %reduce_sum3A_734 : f32 to vector<16xf32>
      %select_n3A_736 = arith.select %eq3A_730, %broadcast_in_dim3A_735, %select_n3A_672 : vector<16xi1>, vector<16xf32>
      %mul3A_737 = arith.constant 16 : i32
      %mul3A_738 = arith.muli %scan3A_98, %mul3A_737 : i32
      %add3A_739 = arith.constant 10 : i32
      %add3A_740 = arith.addi %mul3A_738, %add3A_739 : i32
      %broadcast_in_dim3A_741 = arith.constant 0.000000e+00 : f32
      %broadcast_in_dim3A_742 = vector.broadcast %broadcast_in_dim3A_741 : f32 to vector<16xf32>
      %mul3A_743 = arith.constant 64 : i32
      %mul3A_744 = arith.muli %add3A_740, %mul3A_743 : i32
      %add3A_745 = arith.constant 0 : i32
      %add3A_746 = arith.addi %mul3A_744, %add3A_745 : i32
      %get3A_747 = arith.index_cast %add3A_746 : i32 to index
      %get3A_748 = tpu.vector_load %arg8[%get3A_747] {strides = array<i32>} : memref<32768xf32, #tpu.memory_space<vmem>>, vector<16xf32>,
      %get3A_749 = arith.index_cast %add3A_740 : i32 to index
      %get3A_750 = arith.constant 0 : index
      %get3A_751 = tpu.vector_load %arg9[%get3A_749, %get3A_750] {strides = array<i32>} : memref<512x64xf32, #tpu.memory_space<vmem>>, vector<16xf32>,
      %sub3A_752 = arith.subf %get3A_748, %get3A_751 : vector<16xf32>
      %mul3A_753 = arith.mulf %sub3A_752, %sub3A_752 : vector<16xf32>
      %add3A_754 = arith.addf %broadcast_in_dim3A_742, %mul3A_753 : vector<16xf32>
      %mul3A_755 = arith.constant 64 : i32
      %mul3A_756 = arith.muli %add3A_740, %mul3A_755 : i32
      %add3A_757 = arith.constant 16 : i32
      %add3A_758 = arith.addi %mul3A_756, %add3A_757 : i32
      %get3A_759 = arith.index_cast %add3A_758 : i32 to index
      %get3A_760 = tpu.vector_load %arg8[%get3A_759] {strides = array<i32>} : memref<32768xf32, #tpu.memory_space<vmem>>, vector<16xf32>,
      %get3A_761 = arith.index_cast %add3A_740 : i32 to index
      %get3A_762 = arith.constant 16 : index
      %get3A_763 = tpu.vector_load %arg9[%get3A_761, %get3A_762] {strides = array<i32>} : memref<512x64xf32, #tpu.memory_space<vmem>>, vector<16xf32>,
      %sub3A_764 = arith.subf %get3A_760, %get3A_763 : vector<16xf32>
      %mul3A_765 = arith.mulf %sub3A_764, %sub3A_764 : vector<16xf32>
      %add3A_766 = arith.addf %add3A_754, %mul3A_765 : vector<16xf32>
      %mul3A_767 = arith.constant 64 : i32
      %mul3A_768 = arith.muli %add3A_740, %mul3A_767 : i32
      %add3A_769 = arith.constant 32 : i32
      %add3A_770 = arith.addi %mul3A_768, %add3A_769 : i32
      %get3A_771 = arith.index_cast %add3A_770 : i32 to index
      %get3A_772 = tpu.vector_load %arg8[%get3A_771] {strides = array<i32>} : memref<32768xf32, #tpu.memory_space<vmem>>, vector<16xf32>,
      %get3A_773 = arith.index_cast %add3A_740 : i32 to index
      %get3A_774 = arith.constant 32 : index
      %get3A_775 = tpu.vector_load %arg9[%get3A_773, %get3A_774] {strides = array<i32>} : memref<512x64xf32, #tpu.memory_space<vmem>>, vector<16xf32>,
      %sub3A_776 = arith.subf %get3A_772, %get3A_775 : vector<16xf32>
      %mul3A_777 = arith.mulf %sub3A_776, %sub3A_776 : vector<16xf32>
      %add3A_778 = arith.addf %add3A_766, %mul3A_777 : vector<16xf32>
      %mul3A_779 = arith.constant 64 : i32
      %mul3A_780 = arith.muli %add3A_740, %mul3A_779 : i32
      %add3A_781 = arith.constant 48 : i32
      %add3A_782 = arith.addi %mul3A_780, %add3A_781 : i32
      %get3A_783 = arith.index_cast %add3A_782 : i32 to index
      %get3A_784 = tpu.vector_load %arg8[%get3A_783] {strides = array<i32>} : memref<32768xf32, #tpu.memory_space<vmem>>, vector<16xf32>,
      %get3A_785 = arith.index_cast %add3A_740 : i32 to index
      %get3A_786 = arith.constant 48 : index
      %get3A_787 = tpu.vector_load %arg9[%get3A_785, %get3A_786] {strides = array<i32>} : memref<512x64xf32, #tpu.memory_space<vmem>>, vector<16xf32>,
      %sub3A_788 = arith.subf %get3A_784, %get3A_787 : vector<16xf32>
      %mul3A_789 = arith.mulf %sub3A_788, %sub3A_788 : vector<16xf32>
      %add3A_790 = arith.addf %add3A_778, %mul3A_789 : vector<16xf32>
      %add3A_791 = arith.addf %add3A_727, %add3A_790 : vector<16xf32>
      %eq3A_792 = arith.constant 10 : i32
      %eq3A_793 = vector.broadcast %eq3A_792 : i32 to vector<16xi32>
      %eq3A_794 = arith.cmpi eq, %iota3A, %eq3A_793 : vector<16xi32>
      %reduce_sum3A_795 = arith.constant true
      %reduce_sum3A_796 = vector.broadcast %reduce_sum3A_795 : i1 to vector<16xi1>
      %reduce_sum3A_797 = tpu.scan <sum>, %add3A_790 masked %reduce_sum3A_796 : vector<16xf32>, vector<16xi1> -> vector<16xf32>
      %reduce_sum3A_798 = vector.extract %reduce_sum3A_797[15] : f32 from vector<16xf32>
      %broadcast_in_dim3A_799 = vector.broadcast %reduce_sum3A_798 : f32 to vector<16xf32>
      %select_n3A_800 = arith.select %eq3A_794, %broadcast_in_dim3A_799, %select_n3A_736 : vector<16xi1>, vector<16xf32>
      %mul3A_801 = arith.constant 16 : i32
      %mul3A_802 = arith.muli %scan3A_98, %mul3A_801 : i32
      %add3A_803 = arith.constant 11 : i32
      %add3A_804 = arith.addi %mul3A_802, %add3A_803 : i32
      %broadcast_in_dim3A_805 = arith.constant 0.000000e+00 : f32
      %broadcast_in_dim3A_806 = vector.broadcast %broadcast_in_dim3A_805 : f32 to vector<16xf32>
      %mul3A_807 = arith.constant 64 : i32
      %mul3A_808 = arith.muli %add3A_804, %mul3A_807 : i32
      %add3A_809 = arith.constant 0 : i32
      %add3A_810 = arith.addi %mul3A_808, %add3A_809 : i32
      %get3A_811 = arith.index_cast %add3A_810 : i32 to index
      %get3A_812 = tpu.vector_load %arg8[%get3A_811] {strides = array<i32>} : memref<32768xf32, #tpu.memory_space<vmem>>, vector<16xf32>,
      %get3A_813 = arith.index_cast %add3A_804 : i32 to index
      %get3A_814 = arith.constant 0 : index
      %get3A_815 = tpu.vector_load %arg9[%get3A_813, %get3A_814] {strides = array<i32>} : memref<512x64xf32, #tpu.memory_space<vmem>>, vector<16xf32>,
      %sub3A_816 = arith.subf %get3A_812, %get3A_815 : vector<16xf32>
      %mul3A_817 = arith.mulf %sub3A_816, %sub3A_816 : vector<16xf32>
      %add3A_818 = arith.addf %broadcast_in_dim3A_806, %mul3A_817 : vector<16xf32>
      %mul3A_819 = arith.constant 64 : i32
      %mul3A_820 = arith.muli %add3A_804, %mul3A_819 : i32
      %add3A_821 = arith.constant 16 : i32
      %add3A_822 = arith.addi %mul3A_820, %add3A_821 : i32
      %get3A_823 = arith.index_cast %add3A_822 : i32 to index
      %get3A_824 = tpu.vector_load %arg8[%get3A_823] {strides = array<i32>} : memref<32768xf32, #tpu.memory_space<vmem>>, vector<16xf32>,
      %get3A_825 = arith.index_cast %add3A_804 : i32 to index
      %get3A_826 = arith.constant 16 : index
      %get3A_827 = tpu.vector_load %arg9[%get3A_825, %get3A_826] {strides = array<i32>} : memref<512x64xf32, #tpu.memory_space<vmem>>, vector<16xf32>,
      %sub3A_828 = arith.subf %get3A_824, %get3A_827 : vector<16xf32>
      %mul3A_829 = arith.mulf %sub3A_828, %sub3A_828 : vector<16xf32>
      %add3A_830 = arith.addf %add3A_818, %mul3A_829 : vector<16xf32>
      %mul3A_831 = arith.constant 64 : i32
      %mul3A_832 = arith.muli %add3A_804, %mul3A_831 : i32
      %add3A_833 = arith.constant 32 : i32
      %add3A_834 = arith.addi %mul3A_832, %add3A_833 : i32
      %get3A_835 = arith.index_cast %add3A_834 : i32 to index
      %get3A_836 = tpu.vector_load %arg8[%get3A_835] {strides = array<i32>} : memref<32768xf32, #tpu.memory_space<vmem>>, vector<16xf32>,
      %get3A_837 = arith.index_cast %add3A_804 : i32 to index
      %get3A_838 = arith.constant 32 : index
      %get3A_839 = tpu.vector_load %arg9[%get3A_837, %get3A_838] {strides = array<i32>} : memref<512x64xf32, #tpu.memory_space<vmem>>, vector<16xf32>,
      %sub3A_840 = arith.subf %get3A_836, %get3A_839 : vector<16xf32>
      %mul3A_841 = arith.mulf %sub3A_840, %sub3A_840 : vector<16xf32>
      %add3A_842 = arith.addf %add3A_830, %mul3A_841 : vector<16xf32>
      %mul3A_843 = arith.constant 64 : i32
      %mul3A_844 = arith.muli %add3A_804, %mul3A_843 : i32
      %add3A_845 = arith.constant 48 : i32
      %add3A_846 = arith.addi %mul3A_844, %add3A_845 : i32
      %get3A_847 = arith.index_cast %add3A_846 : i32 to index
      %get3A_848 = tpu.vector_load %arg8[%get3A_847] {strides = array<i32>} : memref<32768xf32, #tpu.memory_space<vmem>>, vector<16xf32>,
      %get3A_849 = arith.index_cast %add3A_804 : i32 to index
      %get3A_850 = arith.constant 48 : index
      %get3A_851 = tpu.vector_load %arg9[%get3A_849, %get3A_850] {strides = array<i32>} : memref<512x64xf32, #tpu.memory_space<vmem>>, vector<16xf32>,
      %sub3A_852 = arith.subf %get3A_848, %get3A_851 : vector<16xf32>
      %mul3A_853 = arith.mulf %sub3A_852, %sub3A_852 : vector<16xf32>
      %add3A_854 = arith.addf %add3A_842, %mul3A_853 : vector<16xf32>
      %add3A_855 = arith.addf %add3A_791, %add3A_854 : vector<16xf32>
      %eq3A_856 = arith.constant 11 : i32
      %eq3A_857 = vector.broadcast %eq3A_856 : i32 to vector<16xi32>
      %eq3A_858 = arith.cmpi eq, %iota3A, %eq3A_857 : vector<16xi32>
      %reduce_sum3A_859 = arith.constant true
      %reduce_sum3A_860 = vector.broadcast %reduce_sum3A_859 : i1 to vector<16xi1>
      %reduce_sum3A_861 = tpu.scan <sum>, %add3A_854 masked %reduce_sum3A_860 : vector<16xf32>, vector<16xi1> -> vector<16xf32>
      %reduce_sum3A_862 = vector.extract %reduce_sum3A_861[15] : f32 from vector<16xf32>
      %broadcast_in_dim3A_863 = vector.broadcast %reduce_sum3A_862 : f32 to vector<16xf32>
      %select_n3A_864 = arith.select %eq3A_858, %broadcast_in_dim3A_863, %select_n3A_800 : vector<16xi1>, vector<16xf32>
      %mul3A_865 = arith.constant 16 : i32
      %mul3A_866 = arith.muli %scan3A_98, %mul3A_865 : i32
      %add3A_867 = arith.constant 12 : i32
      %add3A_868 = arith.addi %mul3A_866, %add3A_867 : i32
      %broadcast_in_dim3A_869 = arith.constant 0.000000e+00 : f32
      %broadcast_in_dim3A_870 = vector.broadcast %broadcast_in_dim3A_869 : f32 to vector<16xf32>
      %mul3A_871 = arith.constant 64 : i32
      %mul3A_872 = arith.muli %add3A_868, %mul3A_871 : i32
      %add3A_873 = arith.constant 0 : i32
      %add3A_874 = arith.addi %mul3A_872, %add3A_873 : i32
      %get3A_875 = arith.index_cast %add3A_874 : i32 to index
      %get3A_876 = tpu.vector_load %arg8[%get3A_875] {strides = array<i32>} : memref<32768xf32, #tpu.memory_space<vmem>>, vector<16xf32>,
      %get3A_877 = arith.index_cast %add3A_868 : i32 to index
      %get3A_878 = arith.constant 0 : index
      %get3A_879 = tpu.vector_load %arg9[%get3A_877, %get3A_878] {strides = array<i32>} : memref<512x64xf32, #tpu.memory_space<vmem>>, vector<16xf32>,
      %sub3A_880 = arith.subf %get3A_876, %get3A_879 : vector<16xf32>
      %mul3A_881 = arith.mulf %sub3A_880, %sub3A_880 : vector<16xf32>
      %add3A_882 = arith.addf %broadcast_in_dim3A_870, %mul3A_881 : vector<16xf32>
      %mul3A_883 = arith.constant 64 : i32
      %mul3A_884 = arith.muli %add3A_868, %mul3A_883 : i32
      %add3A_885 = arith.constant 16 : i32
      %add3A_886 = arith.addi %mul3A_884, %add3A_885 : i32
      %get3A_887 = arith.index_cast %add3A_886 : i32 to index
      %get3A_888 = tpu.vector_load %arg8[%get3A_887] {strides = array<i32>} : memref<32768xf32, #tpu.memory_space<vmem>>, vector<16xf32>,
      %get3A_889 = arith.index_cast %add3A_868 : i32 to index
      %get3A_890 = arith.constant 16 : index
      %get3A_891 = tpu.vector_load %arg9[%get3A_889, %get3A_890] {strides = array<i32>} : memref<512x64xf32, #tpu.memory_space<vmem>>, vector<16xf32>,
      %sub3A_892 = arith.subf %get3A_888, %get3A_891 : vector<16xf32>
      %mul3A_893 = arith.mulf %sub3A_892, %sub3A_892 : vector<16xf32>
      %add3A_894 = arith.addf %add3A_882, %mul3A_893 : vector<16xf32>
      %mul3A_895 = arith.constant 64 : i32
      %mul3A_896 = arith.muli %add3A_868, %mul3A_895 : i32
      %add3A_897 = arith.constant 32 : i32
      %add3A_898 = arith.addi %mul3A_896, %add3A_897 : i32
      %get3A_899 = arith.index_cast %add3A_898 : i32 to index
      %get3A_900 = tpu.vector_load %arg8[%get3A_899] {strides = array<i32>} : memref<32768xf32, #tpu.memory_space<vmem>>, vector<16xf32>,
      %get3A_901 = arith.index_cast %add3A_868 : i32 to index
      %get3A_902 = arith.constant 32 : index
      %get3A_903 = tpu.vector_load %arg9[%get3A_901, %get3A_902] {strides = array<i32>} : memref<512x64xf32, #tpu.memory_space<vmem>>, vector<16xf32>,
      %sub3A_904 = arith.subf %get3A_900, %get3A_903 : vector<16xf32>
      %mul3A_905 = arith.mulf %sub3A_904, %sub3A_904 : vector<16xf32>
      %add3A_906 = arith.addf %add3A_894, %mul3A_905 : vector<16xf32>
      %mul3A_907 = arith.constant 64 : i32
      %mul3A_908 = arith.muli %add3A_868, %mul3A_907 : i32
      %add3A_909 = arith.constant 48 : i32
      %add3A_910 = arith.addi %mul3A_908, %add3A_909 : i32
      %get3A_911 = arith.index_cast %add3A_910 : i32 to index
      %get3A_912 = tpu.vector_load %arg8[%get3A_911] {strides = array<i32>} : memref<32768xf32, #tpu.memory_space<vmem>>, vector<16xf32>,
      %get3A_913 = arith.index_cast %add3A_868 : i32 to index
      %get3A_914 = arith.constant 48 : index
      %get3A_915 = tpu.vector_load %arg9[%get3A_913, %get3A_914] {strides = array<i32>} : memref<512x64xf32, #tpu.memory_space<vmem>>, vector<16xf32>,
      %sub3A_916 = arith.subf %get3A_912, %get3A_915 : vector<16xf32>
      %mul3A_917 = arith.mulf %sub3A_916, %sub3A_916 : vector<16xf32>
      %add3A_918 = arith.addf %add3A_906, %mul3A_917 : vector<16xf32>
      %add3A_919 = arith.addf %add3A_855, %add3A_918 : vector<16xf32>
      %eq3A_920 = arith.constant 12 : i32
      %eq3A_921 = vector.broadcast %eq3A_920 : i32 to vector<16xi32>
      %eq3A_922 = arith.cmpi eq, %iota3A, %eq3A_921 : vector<16xi32>
      %reduce_sum3A_923 = arith.constant true
      %reduce_sum3A_924 = vector.broadcast %reduce_sum3A_923 : i1 to vector<16xi1>
      %reduce_sum3A_925 = tpu.scan <sum>, %add3A_918 masked %reduce_sum3A_924 : vector<16xf32>, vector<16xi1> -> vector<16xf32>
      %reduce_sum3A_926 = vector.extract %reduce_sum3A_925[15] : f32 from vector<16xf32>
      %broadcast_in_dim3A_927 = vector.broadcast %reduce_sum3A_926 : f32 to vector<16xf32>
      %select_n3A_928 = arith.select %eq3A_922, %broadcast_in_dim3A_927, %select_n3A_864 : vector<16xi1>, vector<16xf32>
      %mul3A_929 = arith.constant 16 : i32
      %mul3A_930 = arith.muli %scan3A_98, %mul3A_929 : i32
      %add3A_931 = arith.constant 13 : i32
      %add3A_932 = arith.addi %mul3A_930, %add3A_931 : i32
      %broadcast_in_dim3A_933 = arith.constant 0.000000e+00 : f32
      %broadcast_in_dim3A_934 = vector.broadcast %broadcast_in_dim3A_933 : f32 to vector<16xf32>
      %mul3A_935 = arith.constant 64 : i32
      %mul3A_936 = arith.muli %add3A_932, %mul3A_935 : i32
      %add3A_937 = arith.constant 0 : i32
      %add3A_938 = arith.addi %mul3A_936, %add3A_937 : i32
      %get3A_939 = arith.index_cast %add3A_938 : i32 to index
      %get3A_940 = tpu.vector_load %arg8[%get3A_939] {strides = array<i32>} : memref<32768xf32, #tpu.memory_space<vmem>>, vector<16xf32>,
      %get3A_941 = arith.index_cast %add3A_932 : i32 to index
      %get3A_942 = arith.constant 0 : index
      %get3A_943 = tpu.vector_load %arg9[%get3A_941, %get3A_942] {strides = array<i32>} : memref<512x64xf32, #tpu.memory_space<vmem>>, vector<16xf32>,
      %sub3A_944 = arith.subf %get3A_940, %get3A_943 : vector<16xf32>
      %mul3A_945 = arith.mulf %sub3A_944, %sub3A_944 : vector<16xf32>
      %add3A_946 = arith.addf %broadcast_in_dim3A_934, %mul3A_945 : vector<16xf32>
      %mul3A_947 = arith.constant 64 : i32
      %mul3A_948 = arith.muli %add3A_932, %mul3A_947 : i32
      %add3A_949 = arith.constant 16 : i32
      %add3A_950 = arith.addi %mul3A_948, %add3A_949 : i32
      %get3A_951 = arith.index_cast %add3A_950 : i32 to index
      %get3A_952 = tpu.vector_load %arg8[%get3A_951] {strides = array<i32>} : memref<32768xf32, #tpu.memory_space<vmem>>, vector<16xf32>,
      %get3A_953 = arith.index_cast %add3A_932 : i32 to index
      %get3A_954 = arith.constant 16 : index
      %get3A_955 = tpu.vector_load %arg9[%get3A_953, %get3A_954] {strides = array<i32>} : memref<512x64xf32, #tpu.memory_space<vmem>>, vector<16xf32>,
      %sub3A_956 = arith.subf %get3A_952, %get3A_955 : vector<16xf32>
      %mul3A_957 = arith.mulf %sub3A_956, %sub3A_956 : vector<16xf32>
      %add3A_958 = arith.addf %add3A_946, %mul3A_957 : vector<16xf32>
      %mul3A_959 = arith.constant 64 : i32
      %mul3A_960 = arith.muli %add3A_932, %mul3A_959 : i32
      %add3A_961 = arith.constant 32 : i32
      %add3A_962 = arith.addi %mul3A_960, %add3A_961 : i32
      %get3A_963 = arith.index_cast %add3A_962 : i32 to index
      %get3A_964 = tpu.vector_load %arg8[%get3A_963] {strides = array<i32>} : memref<32768xf32, #tpu.memory_space<vmem>>, vector<16xf32>,
      %get3A_965 = arith.index_cast %add3A_932 : i32 to index
      %get3A_966 = arith.constant 32 : index
      %get3A_967 = tpu.vector_load %arg9[%get3A_965, %get3A_966] {strides = array<i32>} : memref<512x64xf32, #tpu.memory_space<vmem>>, vector<16xf32>,
      %sub3A_968 = arith.subf %get3A_964, %get3A_967 : vector<16xf32>
      %mul3A_969 = arith.mulf %sub3A_968, %sub3A_968 : vector<16xf32>
      %add3A_970 = arith.addf %add3A_958, %mul3A_969 : vector<16xf32>
      %mul3A_971 = arith.constant 64 : i32
      %mul3A_972 = arith.muli %add3A_932, %mul3A_971 : i32
      %add3A_973 = arith.constant 48 : i32
      %add3A_974 = arith.addi %mul3A_972, %add3A_973 : i32
      %get3A_975 = arith.index_cast %add3A_974 : i32 to index
      %get3A_976 = tpu.vector_load %arg8[%get3A_975] {strides = array<i32>} : memref<32768xf32, #tpu.memory_space<vmem>>, vector<16xf32>,
      %get3A_977 = arith.index_cast %add3A_932 : i32 to index
      %get3A_978 = arith.constant 48 : index
      %get3A_979 = tpu.vector_load %arg9[%get3A_977, %get3A_978] {strides = array<i32>} : memref<512x64xf32, #tpu.memory_space<vmem>>, vector<16xf32>,
      %sub3A_980 = arith.subf %get3A_976, %get3A_979 : vector<16xf32>
      %mul3A_981 = arith.mulf %sub3A_980, %sub3A_980 : vector<16xf32>
      %add3A_982 = arith.addf %add3A_970, %mul3A_981 : vector<16xf32>
      %add3A_983 = arith.addf %add3A_919, %add3A_982 : vector<16xf32>
      %eq3A_984 = arith.constant 13 : i32
      %eq3A_985 = vector.broadcast %eq3A_984 : i32 to vector<16xi32>
      %eq3A_986 = arith.cmpi eq, %iota3A, %eq3A_985 : vector<16xi32>
      %reduce_sum3A_987 = arith.constant true
      %reduce_sum3A_988 = vector.broadcast %reduce_sum3A_987 : i1 to vector<16xi1>
      %reduce_sum3A_989 = tpu.scan <sum>, %add3A_982 masked %reduce_sum3A_988 : vector<16xf32>, vector<16xi1> -> vector<16xf32>
      %reduce_sum3A_990 = vector.extract %reduce_sum3A_989[15] : f32 from vector<16xf32>
      %broadcast_in_dim3A_991 = vector.broadcast %reduce_sum3A_990 : f32 to vector<16xf32>
      %select_n3A_992 = arith.select %eq3A_986, %broadcast_in_dim3A_991, %select_n3A_928 : vector<16xi1>, vector<16xf32>
      %mul3A_993 = arith.constant 16 : i32
      %mul3A_994 = arith.muli %scan3A_98, %mul3A_993 : i32
      %add3A_995 = arith.constant 14 : i32
      %add3A_996 = arith.addi %mul3A_994, %add3A_995 : i32
      %broadcast_in_dim3A_997 = arith.constant 0.000000e+00 : f32
      %broadcast_in_dim3A_998 = vector.broadcast %broadcast_in_dim3A_997 : f32 to vector<16xf32>
      %mul3A_999 = arith.constant 64 : i32
      %mul3A_1000 = arith.muli %add3A_996, %mul3A_999 : i32
      %add3A_1001 = arith.constant 0 : i32
      %add3A_1002 = arith.addi %mul3A_1000, %add3A_1001 : i32
      %get3A_1003 = arith.index_cast %add3A_1002 : i32 to index
      %get3A_1004 = tpu.vector_load %arg8[%get3A_1003] {strides = array<i32>} : memref<32768xf32, #tpu.memory_space<vmem>>, vector<16xf32>,
      %get3A_1005 = arith.index_cast %add3A_996 : i32 to index
      %get3A_1006 = arith.constant 0 : index
      %get3A_1007 = tpu.vector_load %arg9[%get3A_1005, %get3A_1006] {strides = array<i32>} : memref<512x64xf32, #tpu.memory_space<vmem>>, vector<16xf32>,
      %sub3A_1008 = arith.subf %get3A_1004, %get3A_1007 : vector<16xf32>
      %mul3A_1009 = arith.mulf %sub3A_1008, %sub3A_1008 : vector<16xf32>
      %add3A_1010 = arith.addf %broadcast_in_dim3A_998, %mul3A_1009 : vector<16xf32>
      %mul3A_1011 = arith.constant 64 : i32
      %mul3A_1012 = arith.muli %add3A_996, %mul3A_1011 : i32
      %add3A_1013 = arith.constant 16 : i32
      %add3A_1014 = arith.addi %mul3A_1012, %add3A_1013 : i32
      %get3A_1015 = arith.index_cast %add3A_1014 : i32 to index
      %get3A_1016 = tpu.vector_load %arg8[%get3A_1015] {strides = array<i32>} : memref<32768xf32, #tpu.memory_space<vmem>>, vector<16xf32>,
      %get3A_1017 = arith.index_cast %add3A_996 : i32 to index
      %get3A_1018 = arith.constant 16 : index
      %get3A_1019 = tpu.vector_load %arg9[%get3A_1017, %get3A_1018] {strides = array<i32>} : memref<512x64xf32, #tpu.memory_space<vmem>>, vector<16xf32>,
      %sub3A_1020 = arith.subf %get3A_1016, %get3A_1019 : vector<16xf32>
      %mul3A_1021 = arith.mulf %sub3A_1020, %sub3A_1020 : vector<16xf32>
      %add3A_1022 = arith.addf %add3A_1010, %mul3A_1021 : vector<16xf32>
      %mul3A_1023 = arith.constant 64 : i32
      %mul3A_1024 = arith.muli %add3A_996, %mul3A_1023 : i32
      %add3A_1025 = arith.constant 32 : i32
      %add3A_1026 = arith.addi %mul3A_1024, %add3A_1025 : i32
      %get3A_1027 = arith.index_cast %add3A_1026 : i32 to index
      %get3A_1028 = tpu.vector_load %arg8[%get3A_1027] {strides = array<i32>} : memref<32768xf32, #tpu.memory_space<vmem>>, vector<16xf32>,
      %get3A_1029 = arith.index_cast %add3A_996 : i32 to index
      %get3A_1030 = arith.constant 32 : index
      %get3A_1031 = tpu.vector_load %arg9[%get3A_1029, %get3A_1030] {strides = array<i32>} : memref<512x64xf32, #tpu.memory_space<vmem>>, vector<16xf32>,
      %sub3A_1032 = arith.subf %get3A_1028, %get3A_1031 : vector<16xf32>
      %mul3A_1033 = arith.mulf %sub3A_1032, %sub3A_1032 : vector<16xf32>
      %add3A_1034 = arith.addf %add3A_1022, %mul3A_1033 : vector<16xf32>
      %mul3A_1035 = arith.constant 64 : i32
      %mul3A_1036 = arith.muli %add3A_996, %mul3A_1035 : i32
      %add3A_1037 = arith.constant 48 : i32
      %add3A_1038 = arith.addi %mul3A_1036, %add3A_1037 : i32
      %get3A_1039 = arith.index_cast %add3A_1038 : i32 to index
      %get3A_1040 = tpu.vector_load %arg8[%get3A_1039] {strides = array<i32>} : memref<32768xf32, #tpu.memory_space<vmem>>, vector<16xf32>,
      %get3A_1041 = arith.index_cast %add3A_996 : i32 to index
      %get3A_1042 = arith.constant 48 : index
      %get3A_1043 = tpu.vector_load %arg9[%get3A_1041, %get3A_1042] {strides = array<i32>} : memref<512x64xf32, #tpu.memory_space<vmem>>, vector<16xf32>,
      %sub3A_1044 = arith.subf %get3A_1040, %get3A_1043 : vector<16xf32>
      %mul3A_1045 = arith.mulf %sub3A_1044, %sub3A_1044 : vector<16xf32>
      %add3A_1046 = arith.addf %add3A_1034, %mul3A_1045 : vector<16xf32>
      %add3A_1047 = arith.addf %add3A_983, %add3A_1046 : vector<16xf32>
      %eq3A_1048 = arith.constant 14 : i32
      %eq3A_1049 = vector.broadcast %eq3A_1048 : i32 to vector<16xi32>
      %eq3A_1050 = arith.cmpi eq, %iota3A, %eq3A_1049 : vector<16xi32>
      %reduce_sum3A_1051 = arith.constant true
      %reduce_sum3A_1052 = vector.broadcast %reduce_sum3A_1051 : i1 to vector<16xi1>
      %reduce_sum3A_1053 = tpu.scan <sum>, %add3A_1046 masked %reduce_sum3A_1052 : vector<16xf32>, vector<16xi1> -> vector<16xf32>
      %reduce_sum3A_1054 = vector.extract %reduce_sum3A_1053[15] : f32 from vector<16xf32>
      %broadcast_in_dim3A_1055 = vector.broadcast %reduce_sum3A_1054 : f32 to vector<16xf32>
      %select_n3A_1056 = arith.select %eq3A_1050, %broadcast_in_dim3A_1055, %select_n3A_992 : vector<16xi1>, vector<16xf32>
      %mul3A_1057 = arith.constant 16 : i32
      %mul3A_1058 = arith.muli %scan3A_98, %mul3A_1057 : i32
      %add3A_1059 = arith.constant 15 : i32
      %add3A_1060 = arith.addi %mul3A_1058, %add3A_1059 : i32
      %broadcast_in_dim3A_1061 = arith.constant 0.000000e+00 : f32
      %broadcast_in_dim3A_1062 = vector.broadcast %broadcast_in_dim3A_1061 : f32 to vector<16xf32>
      %mul3A_1063 = arith.constant 64 : i32
      %mul3A_1064 = arith.muli %add3A_1060, %mul3A_1063 : i32
      %add3A_1065 = arith.constant 0 : i32
      %add3A_1066 = arith.addi %mul3A_1064, %add3A_1065 : i32
      %get3A_1067 = arith.index_cast %add3A_1066 : i32 to index
      %get3A_1068 = tpu.vector_load %arg8[%get3A_1067] {strides = array<i32>} : memref<32768xf32, #tpu.memory_space<vmem>>, vector<16xf32>,
      %get3A_1069 = arith.index_cast %add3A_1060 : i32 to index
      %get3A_1070 = arith.constant 0 : index
      %get3A_1071 = tpu.vector_load %arg9[%get3A_1069, %get3A_1070] {strides = array<i32>} : memref<512x64xf32, #tpu.memory_space<vmem>>, vector<16xf32>,
      %sub3A_1072 = arith.subf %get3A_1068, %get3A_1071 : vector<16xf32>
      %mul3A_1073 = arith.mulf %sub3A_1072, %sub3A_1072 : vector<16xf32>
      %add3A_1074 = arith.addf %broadcast_in_dim3A_1062, %mul3A_1073 : vector<16xf32>
      %mul3A_1075 = arith.constant 64 : i32
      %mul3A_1076 = arith.muli %add3A_1060, %mul3A_1075 : i32
      %add3A_1077 = arith.constant 16 : i32
      %add3A_1078 = arith.addi %mul3A_1076, %add3A_1077 : i32
      %get3A_1079 = arith.index_cast %add3A_1078 : i32 to index
      %get3A_1080 = tpu.vector_load %arg8[%get3A_1079] {strides = array<i32>} : memref<32768xf32, #tpu.memory_space<vmem>>, vector<16xf32>,
      %get3A_1081 = arith.index_cast %add3A_1060 : i32 to index
      %get3A_1082 = arith.constant 16 : index
      %get3A_1083 = tpu.vector_load %arg9[%get3A_1081, %get3A_1082] {strides = array<i32>} : memref<512x64xf32, #tpu.memory_space<vmem>>, vector<16xf32>,
      %sub3A_1084 = arith.subf %get3A_1080, %get3A_1083 : vector<16xf32>
      %mul3A_1085 = arith.mulf %sub3A_1084, %sub3A_1084 : vector<16xf32>
      %add3A_1086 = arith.addf %add3A_1074, %mul3A_1085 : vector<16xf32>
      %mul3A_1087 = arith.constant 64 : i32
      %mul3A_1088 = arith.muli %add3A_1060, %mul3A_1087 : i32
      %add3A_1089 = arith.constant 32 : i32
      %add3A_1090 = arith.addi %mul3A_1088, %add3A_1089 : i32
      %get3A_1091 = arith.index_cast %add3A_1090 : i32 to index
      %get3A_1092 = tpu.vector_load %arg8[%get3A_1091] {strides = array<i32>} : memref<32768xf32, #tpu.memory_space<vmem>>, vector<16xf32>,
      %get3A_1093 = arith.index_cast %add3A_1060 : i32 to index
      %get3A_1094 = arith.constant 32 : index
      %get3A_1095 = tpu.vector_load %arg9[%get3A_1093, %get3A_1094] {strides = array<i32>} : memref<512x64xf32, #tpu.memory_space<vmem>>, vector<16xf32>,
      %sub3A_1096 = arith.subf %get3A_1092, %get3A_1095 : vector<16xf32>
      %mul3A_1097 = arith.mulf %sub3A_1096, %sub3A_1096 : vector<16xf32>
      %add3A_1098 = arith.addf %add3A_1086, %mul3A_1097 : vector<16xf32>
      %mul3A_1099 = arith.constant 64 : i32
      %mul3A_1100 = arith.muli %add3A_1060, %mul3A_1099 : i32
      %add3A_1101 = arith.constant 48 : i32
      %add3A_1102 = arith.addi %mul3A_1100, %add3A_1101 : i32
      %get3A_1103 = arith.index_cast %add3A_1102 : i32 to index
      %get3A_1104 = tpu.vector_load %arg8[%get3A_1103] {strides = array<i32>} : memref<32768xf32, #tpu.memory_space<vmem>>, vector<16xf32>,
      %get3A_1105 = arith.index_cast %add3A_1060 : i32 to index
      %get3A_1106 = arith.constant 48 : index
      %get3A_1107 = tpu.vector_load %arg9[%get3A_1105, %get3A_1106] {strides = array<i32>} : memref<512x64xf32, #tpu.memory_space<vmem>>, vector<16xf32>,
      %sub3A_1108 = arith.subf %get3A_1104, %get3A_1107 : vector<16xf32>
      %mul3A_1109 = arith.mulf %sub3A_1108, %sub3A_1108 : vector<16xf32>
      %add3A_1110 = arith.addf %add3A_1098, %mul3A_1109 : vector<16xf32>
      %add3A_1111 = arith.addf %add3A_1047, %add3A_1110 : vector<16xf32>
      %eq3A_1112 = arith.constant 15 : i32
      %eq3A_1113 = vector.broadcast %eq3A_1112 : i32 to vector<16xi32>
      %eq3A_1114 = arith.cmpi eq, %iota3A, %eq3A_1113 : vector<16xi32>
      %reduce_sum3A_1115 = arith.constant true
      %reduce_sum3A_1116 = vector.broadcast %reduce_sum3A_1115 : i1 to vector<16xi1>
      %reduce_sum3A_1117 = tpu.scan <sum>, %add3A_1110 masked %reduce_sum3A_1116 : vector<16xf32>, vector<16xi1> -> vector<16xf32>
      %reduce_sum3A_1118 = vector.extract %reduce_sum3A_1117[15] : f32 from vector<16xf32>
      %broadcast_in_dim3A_1119 = vector.broadcast %reduce_sum3A_1118 : f32 to vector<16xf32>
      %select_n3A_1120 = arith.select %eq3A_1114, %broadcast_in_dim3A_1119, %select_n3A_1056 : vector<16xi1>, vector<16xf32>
      %mul3A_1121 = arith.constant 16 : i32
      %mul3A_1122 = arith.muli %scan3A_98, %mul3A_1121 : i32
      %swap3A_1123 = arith.index_cast %mul3A_1122 : i32 to index
      %swap3A_1124 = tpu.vector_load %arg10[%swap3A_1123] {strides = array<i32>} : memref<512xf32, #tpu.memory_space<vmem>>, vector<16xf32>,
      tpu.vector_store %arg10[%swap3A_1123], %select_n3A_1120 {strides = array<i32>} : memref<512xf32, #tpu.memory_space<vmem>>, vector<16xf32>,
      scf.yield %add3A_1111 : vector<16xf32>
    }
    %scan3A_94 = arith.constant 32 : i32
    %swap3A = arith.constant 0 : index
    %swap3A_95 = tpu.vector_load %arg11[%swap3A] {strides = array<i32>} : memref<16xf32, #tpu.memory_space<vmem>>, vector<16xf32>,
    tpu.vector_store %arg11[%swap3A], %scan3A_93 {strides = array<i32>} : memref<16xf32, #tpu.memory_space<vmem>>, vector<16xf32>,
    "tpu.region"() ({
      %run_scoped3A = tpu.sem_alloc : memref<!tpu.dma_semaphore, #tpu.memory_space<semaphore_mem>>
      %dma_start3A_98 = tpu.memref_slice %arg5[%mul3A_2] : memref<16384xf32, #tpu.memory_space<hbm>> -> memref<512xf32, #tpu.memory_space<hbm>>
      %dma_start3A_99 = tpu.memref_slice %arg5[%mul3A_2] : memref<16384xf32, #tpu.memory_space<hbm>> -> memref<512xf32, #tpu.memory_space<hbm>>
      tpu.enqueue_dma source(%arg10 : memref<512xf32, #tpu.memory_space<vmem>>) target(%dma_start3A_99 : memref<512xf32, #tpu.memory_space<hbm>>) target_semaphore(%run_scoped3A : memref<!tpu.dma_semaphore, #tpu.memory_space<semaphore_mem>>)
      %dma_wait3A_100 = tpu.memref_slice %arg5[%mul3A_2] : memref<16384xf32, #tpu.memory_space<hbm>> -> memref<512xf32, #tpu.memory_space<hbm>>
      %dma_wait3A_101 = tpu.memref_slice %arg5[%mul3A_2] : memref<16384xf32, #tpu.memory_space<hbm>> -> memref<512xf32, #tpu.memory_space<hbm>>
      tpu.wait_dma2 semaphore(%run_scoped3A : memref<!tpu.dma_semaphore, #tpu.memory_space<semaphore_mem>>) src(%arg10 : memref<512xf32, #tpu.memory_space<vmem>>) dst(%dma_wait3A_101 : memref<512xf32, #tpu.memory_space<hbm>>)
      tpu.yield
    }) : () -> ()
    %mul3A_96 = arith.constant 16 : i32
    %mul3A_97 = arith.muli %add3A, %mul3A_96 : i32
    "tpu.region"() ({
      %run_scoped3A = tpu.sem_alloc : memref<!tpu.dma_semaphore, #tpu.memory_space<semaphore_mem>>
      %dma_start3A_98 = tpu.memref_slice %arg6[%mul3A_97] : memref<512xf32, #tpu.memory_space<hbm>> -> memref<16xf32, #tpu.memory_space<hbm>>
      %dma_start3A_99 = tpu.memref_slice %arg6[%mul3A_97] : memref<512xf32, #tpu.memory_space<hbm>> -> memref<16xf32, #tpu.memory_space<hbm>>
      tpu.enqueue_dma source(%arg11 : memref<16xf32, #tpu.memory_space<vmem>>) target(%dma_start3A_99 : memref<16xf32, #tpu.memory_space<hbm>>) target_semaphore(%run_scoped3A : memref<!tpu.dma_semaphore, #tpu.memory_space<semaphore_mem>>)
      %dma_wait3A_100 = tpu.memref_slice %arg6[%mul3A_97] : memref<512xf32, #tpu.memory_space<hbm>> -> memref<16xf32, #tpu.memory_space<hbm>>
      %dma_wait3A_101 = tpu.memref_slice %arg6[%mul3A_97] : memref<512xf32, #tpu.memory_space<hbm>> -> memref<16xf32, #tpu.memory_space<hbm>>
      tpu.wait_dma2 semaphore(%run_scoped3A : memref<!tpu.dma_semaphore, #tpu.memory_space<semaphore_mem>>) src(%arg11 : memref<16xf32, #tpu.memory_space<vmem>>) dst(%dma_wait3A_101 : memref<16xf32, #tpu.memory_space<hbm>>)
      tpu.yield
    }) : () -> ()
    return
  }
}

</mosaic_0001>

<sc_bundles>
// kernel: kernel.3.cloned.1.call-start
scs
__scs_entry_jumppad:
0x0: {  	(pc) =	sbr.rel $0x88, $3  }
0x1: {  	(tag) =	ssettag $0x0;
	lr =	simm.s32 $0x1  }
0x2: {  	[smem:$0x3F9E] =	sst lr;
	_ =	strace $0xD0000000  }
0x3: {  	_ = 	snop  }
0x4: {  	_ = 	snop  }
0x5: {  	_ = 	snop  }
0x6: {  	_ = 	snop  }
0x7: {  	_ = 	snop  }
__scs_overlays_trampoline_lowered:
0x8: {  	[smem:$0x3FAD] =	sst s0  }
0x9: {  	[smem:$0x3FAE] =	sst s1  }
0xa: {  	[smem:$0x3FAF] =	sst s2  }
0xb: {  	[smem:$0x3FB0] =	sst s3  }
0xc: {  	[smem:$0x3FB1] =	sst s4  }
0xd: {  	[smem:$0x3FB2] =	sst s5  }
0xe: {  	[smem:$0x3FB3] =	sst s6  }
0xf: {  	[smem:$0x3FB4] =	sst s7  }
0x10: {  	[smem:$0x3FB5] =	sst s8  }
0x11: {  	[smem:$0x3FB6] =	sst s9;
	s0 =	simm.s32 @!p0 $0x0  }
0x12: {  	s1 =	sld [smem:$0x3F9C];
	s0 =	simm.s32 @p0 $0x1  }
0x13: {  	[smem:$0x3FB7] =	sst s0;
	s0 =	simm.s32 @!p1 $0x0  }
0x14: {  	s2 =	sld [smem:$0x3F9B];
	s0 =	simm.s32 @p1 $0x1  }
0x15: {  	[smem:$0x3FB8] =	sst s0;
	s0 =	simm.s32 @!p2 $0x0  }
0x16: {  	s3 =	sld [smem:$0x3FDB];
	s0 =	simm.s32 @p2 $0x1  }
0x17: {  	s4 =	simm.s32 $0x1BF5;
	[smem:$0x3FBA] =	sst s0  }
0x18: {  	s0 =	sld [smem:$0x3F9D];
	_ =	swait.ge [sflag:s4], $0x0  }
0x19: {  	s7 =	sld [smem:$0x3F9E]  }
0x1a: {  	s8 =	sadd.s32 $0xFFFFE003, lr  }
0x1b: {  	s9 =	sadd.s32 $0xFFFFFEF7, lr;
	s5 =	simm.s32 $0xFFFFFFFF;
	p2 =	slt.u32 s8, $0xFFFFF086  }
0x1c: {  	p1 =	slt.u32 s9, $0xF7A;
	s5 =	simm.s32 @!p2 $0x0  }
0x1d: {  	s5 =	simm.s32 @p1 $0x1;
	p0 =	seq.s32 s7, s2  }
0x1e: {  	s7 =	smul.u32 @!p0 $0xF7A, s2;
	p2 =	seq.s32 @!p0 s5, $0x0  }
0x1f: {  	s9 =	smul.u32 $0xF7A, s1;
	s8 =	simm.s32 @!p0 $0x1BF5;
	p2 =	por !p2, p0  }
0x20: {  	[sflag:s8] =	ssyncset.s32 @!p0 $0xFFFFF086;
	s6 =	sadd.s32 @!p0 s3, s7;
	s7 =	simm.s32 @!p0 $0x108  }
0x21: {  	s3 =	sadd.s32 s3, s9;
	s6 =	sadd.s32 @!p0 $0x88, s6;
	s7 =	simm.s32 @p2 $0x1082  }
0x22: {  	[simem:s7], [sflag:s8] =	dma.local @!p0 [hbm:s6], $0xF7A  }
0x23: {  	s9 =	sor.u32 $0xD0000000, s2;
	s6 =	simm.s32 $0x108;
	_ =	swait.ge @!p0 [sflag:s8], $0x0  }
0x24: {  	s3 =	sadd.s32 $0x88, s3;
	s6 =	simm.s32 @!p1 $0x1082;
	[sflag:s4] =	ssyncset.s32 $0xFFFFF086  }
0x25: {  	[simem:s6], [sflag:s4] =	dma.local [hbm:s3], $0xF7A  }
0x26: {  	[smem:$0x3F9E] =	sst s1;
	(tag) =	ssettag s2;
	_ =	strace s9  }
0x27: {  	s1 =	sld [smem:$0x3FAE]  }
0x28: {  	s2 =	sld [smem:$0x3FAF]  }
0x29: {  	s4 =	sld [smem:$0x3FB1]  }
0x2a: {  	p0 =	seq.s32 s5, $0x0;
	s5 =	sld [smem:$0x3FB2]  }
0x2b: {  	s6 =	sld [smem:$0x3FB3]  }
0x2c: {  	s7 =	sld [smem:$0x3FB4]  }
0x2d: {  	s3 =	simm.s32 $0x108;
	s8 =	sld [smem:$0x3FB5]  }
0x2e: {  	s3 =	simm.s32 @!p0 $0x1082;
	s9 =	sld [smem:$0x3FB6]  }
0x2f: {  	lr =	sadd.s32 s0, s3;
	s0 =	sld [smem:$0x3FAD]  }
0x30: {  	s3 =	sld [smem:$0x3FB0]  }
0x31: {  	[smem:$0x3FB9] =	sst s10  }
0x32: {  	s10 =	sld [smem:$0x3FB7];
	_ =	sdelay $0x3  }
0x33: {  	p0 =	seq.s32 s10, $0x1;
	s10 =	sld [smem:$0x3FB9];
	_ =	sdelay $0x3  }
0x34: {  	[smem:$0x3FB9] =	sst s10  }
0x35: {  	s10 =	sld [smem:$0x3FB8];
	_ =	sdelay $0x3  }
0x36: {  	p1 =	seq.s32 s10, $0x1;
	s10 =	sld [smem:$0x3FB9];
	_ =	sdelay $0x3  }
0x37: {  	[smem:$0x3FB9] =	sst s10  }
0x38: {  	s10 =	sld [smem:$0x3FBA]  }
0x39: {  	_ = 	snop;
	(pc) =	sbr.ind lr, $3  }
0x3a: {  	_ = 	snop  }
0x3b: {  	_ = 	snop  }
0x3c: {  	p2 =	seq.s32 s10, $0x1;
	s10 =	sld [smem:$0x3FB9]  }
0x3d: {  	_ =	shalt  }
0x3e: {  	_ =	shalt  }
0x3f: {  	_ =	shalt  }
0x40: {  	_ =	shalt  }
0x41: {  	_ =	shalt  }
0x42: {  	_ =	shalt  }
0x43: {  	_ =	shalt  }
0x44: {  	_ =	shalt  }
0x45: {  	_ =	shalt  }
0x46: {  	_ =	shalt  }
0x47: {  	_ =	shalt  }
0x48: {  	_ =	shalt  }
0x49: {  	_ =	shalt  }
0x4a: {  	_ =	shalt  }
0x4b: {  	_ =	shalt  }
0x4c: {  	_ =	shalt  }
0x4d: {  	_ =	shalt  }
0x4e: {  	_ =	shalt  }
0x4f: {  	_ =	shalt  }
0x50: {  	_ =	shalt  }
0x51: {  	_ =	shalt  }
0x52: {  	_ =	shalt  }
0x53: {  	_ =	shalt  }
0x54: {  	_ =	shalt  }
0x55: {  	_ =	shalt  }
0x56: {  	_ =	shalt  }
0x57: {  	_ =	shalt  }
0x58: {  	_ =	shalt  }
0x59: {  	_ =	shalt  }
0x5a: {  	_ =	shalt  }
0x5b: {  	_ =	shalt  }
0x5c: {  	_ =	shalt  }
0x5d: {  	_ =	shalt  }
0x5e: {  	_ =	shalt  }
0x5f: {  	_ =	shalt  }
0x60: {  	_ =	shalt  }
0x61: {  	_ =	shalt  }
0x62: {  	_ =	shalt  }
0x63: {  	_ =	shalt  }
0x64: {  	_ =	shalt  }
0x65: {  	_ =	shalt  }
0x66: {  	_ =	shalt  }
0x67: {  	_ =	shalt  }
0x68: {  	_ =	shalt  }
0x69: {  	_ =	shalt  }
0x6a: {  	_ =	shalt  }
0x6b: {  	_ =	shalt  }
0x6c: {  	_ =	shalt  }
0x6d: {  	_ =	shalt  }
0x6e: {  	_ =	shalt  }
0x6f: {  	_ =	shalt  }
0x70: {  	_ =	shalt  }
0x71: {  	_ =	shalt  }
0x72: {  	_ =	shalt  }
0x73: {  	_ =	shalt  }
0x74: {  	_ =	shalt  }
0x75: {  	_ =	shalt  }
0x76: {  	_ =	shalt  }
0x77: {  	_ =	shalt  }
0x78: {  	_ =	shalt  }
0x79: {  	_ =	shalt  }
0x7a: {  	_ =	shalt  }
0x7b: {  	_ =	shalt  }
0x7c: {  	_ =	shalt  }
0x7d: {  	_ =	shalt  }
0x7e: {  	_ =	shalt  }
0x7f: {  	_ =	shalt  }
0x80: {  	_ =	shalt  }
0x81: {  	_ =	shalt  }
0x82: {  	_ =	shalt  }
0x83: {  	_ =	shalt  }
0x84: {  	_ =	shalt  }
0x85: {  	_ =	shalt  }
0x86: {  	_ =	shalt  }
0x87: {  	_ =	shalt  }
.Lfunc_end0:
.L_simem_size_0:
called_computation_lowered:
.L_overlay_start_0:
0x88: {  	s2 =	sld [smem:$0x3FD9]  }
0x89: {  	s3 =	sld [smem:$0x3FFE];
	_ =	sdelay $0x1  }
0x8a: {  	s1 =	srdreg.scid  }
0x8b: {  	s0 =	sand.u32 $0x1, s1  }
0x8c: {  	s14 =	sshll.u32 s0, $0xA;
	s2 =	sadd.s32 s3, s2  }
0x8d: {  	s2 =	sadd.s32 s2, s14  }
0x8e: {  	[smem:$0x3FC5] =	sst s2  }
0x8f: {  	_ = 	snop  }
0x90: {  	s2 =	sld [smem:$0x3FD0];
	_ =	sdelay $0x2  }
0x91: {  	s4 =	simm.s32 $0xA;
	s5 =	simm.s32 $0x10;
	s15 =	sld [smem:$0x3FC8]  }
0x92: {  	[smem:s5], [sflag:s4] =	dma.local [hbm:s2], $0x1  }
0x93: {  	_ =	swait.eq [sflag:s4], $0x1  }
0x94: {  	[sflag:s4] =	ssyncset.done $0x0  }
0x95: {  	[sflag:s4] =	ssyncadd.s32 $0xFFFFFFFF  }
0x96: {  	s16 =	sld [smem:$0x10];
	(tm) =	ssettm $0x1  }
0x97: {  	s17 =	sld [smem:$0x3FFB];
	_ =	sdelay $0x3  }
0x98: {  	_ =	strace s17  }
0x99: {  	s4 =	sld [smem:$0x3FFC];
	_ =	sdelay $0x3  }
0x9a: {  	_ =	strace s4  }
0x9b: {  	s4 =	sld [smem:$0x3FFD];
	_ =	sdelay $0x3  }
0x9c: {  	_ =	strace s4  }
0x9d: {  	_ =	strace $0x8FFFFFFF  }
0x9e: {  	s18 =	sld [smem:$0x3FDB];
	_ =	sdelay $0x1  }
0x9f: {  	s19 =	simm.s32 $_scs_section_size  }
0xa0: {  	s6 =	simm.s32 $_size__tile_overlayer_lowered;
	s7 =	simm.s32 $_tile_overlayer_lowered  }
0xa1: {  	s22 =	simm.s32 $0x1BFF;
	s21 =	sshll.u32 s7, $0x1;
	s4 =	sadd.s32 s19, s18  }
0xa2: {  	s8 =	simm.s32 $0x0;
	s20 =	sshll.u32 s6, $0x1;
	s6 =	sadd.s32 s21, s4  }
0xa3: {  	[timem:s8], [sflag:s22] =	dma.local [hbm:s6], s20  }
0xa4: {  	_ =	swait.ge [sflag:s22], s20  }
0xa5: {  	s5 =	ssub.s32 $0x0, s20;
	[sflag:s22] =	ssyncset.done $0x0  }
0xa6: {  	[sflag:s22] =	ssyncadd.s32 s5;
	_ =	sdelay $0x1  }
0xa7: {  	s23 =	simm.s32 $0x1B8B  }
0xa8: {  	_ =	swait.ge [sflag:s23], $0x1  }
0xa9: {  	[sflag:s23] =	ssyncset.done $0x0  }
0xaa: {  	s25 =	simm.s32 $0x1B8E;
	s24 =	sld [smem:$0x3FFE];
	[sflag:s23] =	ssyncadd.s32 $0xFFFFFFFF  }
0xab: {  	s26 =	simm.s32 $execute0_lowered;
	[smem:$0x3FD2] =	sst s25  }
0xac: {  	s6 =	sshll.u32 s26, $0x1;
	_ =	strace $0x80000046;
	[dreg:$0x1] =	wrdreg $0xFFFFFFFF  }
0xad: {  	s28 =	simm.s32 $_size_execute0_lowered;
	s4 =	sadd.s32 s4, s6;
	[dreg:$0x0] =	wrdreg $0x0  }
0xae: {  	s6 =	sshll.u32 s28, $0x1;
	[dreg:$0x2] =	wrdreg s4  }
0xaf: {  	[dreg:$0x3] =	wrdreg s6  }
0xb0: {  	[dreg:$0x4] =	wrdreg $0xC0  }
0xb1: {  	_ =	task [dreg:s8], $0x5FFFF  }
0xb2: {  	[dreg:$0x1] =	wrdreg $0xFFFFFFFF  }
0xb3: {  	[dreg:$0x0] =	wrdreg $0x60  }
0xb4: {  	[dreg:$0x2] =	wrdreg s24  }
0xb5: {  	[dreg:$0x3] =	wrdreg s15  }
0xb6: {  	[dreg:$0x4] =	wrdreg s16  }
0xb7: {  	[dreg:$0x5] =	wrdreg $0x9  }
0xb8: {  	_ =	task.clear_ibuf [dreg:s8], $0x6FFFF;
	_ =	strace $0x90000046  }
0xb9: {  	s29 =	simm.s32 $0x9;
	_ =	strace $0x80000048  }
0xba: {  	_ =	swait.ge [sflag:s29], $0x1  }
0xbb: {  	[sflag:s29] =	ssyncadd.s32 $0xFFFFFFFF  }
0xbc: {  	_ =	strace $0x90000048  }
0xbd: {  	_ =	sfence  }
0xbe: {  	s30 =	sld [smem:$0x0];
	_ =	sdelay $0x2  }
0xbf: {  	s31 =	sshll.u32 s1, $0xD;
	s1 =	sshrl.u32 s1, $0x2  }
0xc0: {  	s3 =	sand.u32 $0x4000, s31;
	s1 =	sadd.s32 s1, s30  }
0xc1: {  	s0 =	sor.u32 s3, s0;
	s1 =	sshll.u32 s1, $0x11  }
0xc2: {  	s0 =	sor.u32 s1, s0  }
0xc3: {  	s0 =	sadd.s32 $0x8F2B, s0  }
0xc4: {  	[sflag:s0] =	ssyncadd.remote.s32 $0x1  }
0xc5: {  	_ =	sfence.sel $0xFFFF  }
0xc6: {  	[dreg:$0x0] =	wrdreg $0xFFFFFFFF;
	(pc) =	sbr.abs _section_cstart, $3  }
0xc7: {  	[dreg:$0x1] =	wrdreg $0xFFFFFFFF  }
0xc8: {  	_ =	task.clear_ibuf [dreg:s8], $0x2FFFF;
	_ =	strace $0x9FFFFFFF  }
0xc9: {  	(tm) =	ssettm $0x7FFFFFFF  }
tec
execute0_lowered:
.L_overlay_start_1:
0x0: {  	(tag) =	ssettag $0x1  }
0x1: {  	s4 =	rddreg [dreg:$0x0]  }
0x2: {  	s5 =	rddreg [dreg:$0x1]  }
0x3: {  	s6 =	rddreg [dreg:$0x2]  }
0x4: {  	s0 =	rddreg [dreg:$0x3]  }
0x5: {  	s3 =	srdreg.scid;
	s1 =	stileid.u32;
	s2 =	simm.s32 $0x0  }
0x6: {  	s12 =	simm.s32 $0x8200;
	s13 =	simm.s32 $0xA200;
	s14 =	simm.s32 $0x100  }
0x7: {  	s15 =	simm.s32 $0xC200;
	s16 =	simm.s32 $0x180;
	s17 =	simm.s32 $0xE200  }
0x8: {  	s18 =	simm.s32 $0x1;
	s19 =	simm.s32 $0x2;
	s20 =	simm.s32 $0x10200  }
0x9: {  	s21 =	simm.s32 $0x10400;
	s7 =	sand.u32 $0x1, s3;
	s31 =	sshll.u32 s1, $0x1  }
0xa: {  	s22 =	simm.s32 $0x0;
	[smem:$0x7FF] =	sst s2;
	s8 =	sor.u32 s7, s31  }
0xb: {  	_ =	strace $0x80000047;
	s7 =	ssub.s32 $0x2, s7;
	s3 =	sshll.u32 s8, $0xC  }
0xc: {  	vm0 =	vmmov $0x1;
	vm1 =	vmmov $0x3;
	vm2 =	vmmov $0x7;
	s10 =	sshll.u32 s8, $0x1;
	s11 =	sshrl.u32 s7, $0x1;
	s8 =	sshll.u32 s8, $0x6  }
0xd: {  	vm3 =	vmmov $0xf;
	vm4 =	vmmov $0x1f;
	vm5 =	vmmov $0x3f;
	s9 =	sadd.s32 s3, s4;
	s3 =	sadd.s32 $0x187000, s4;
	s10 =	sadd.s32 s10, s4  }
0xe: {  	vm6 =	vmmov $0x7f;
	vm7 =	vmmov $0xff;
	vm8 =	vmmov $0x1ff;
	s11 =	ssub.s32 s7, s11;
	s4 =	sadd.s32 s5, s8;
	s6 =	sadd.s32 s6, s8  }
0xf: {  	vm9 =	vmmov $0x3ff;
	vm10 =	vmmov $0x7ff;
	vm11 =	vmmov $0xfff;
	s5 =	sadd.s32 $0x600, s9;
	s7 =	sadd.s32 $0x20600, s10;
	s8 =	smax.u32 s11, $0x1  }
0x10: {  	vm12 =	vmmov $0x1fff;
	vm13 =	vmmov $0x3fff;
	vm14 =	vmmov $0x7fff;
	s9 =	simm.s32 $0x3;
	s10 =	simm.s32 $0x200;
	s11 =	simm.s32 $0x80  }
.LBB2_1:
0x11: {  	[tilespmem:s2], [sflag:$0x3] =	stream.linear.gather [hbm4b:s4+s2], $0x200, $0x38;
	[tilespmem:$0x10410] =	vst v63  }
0x12: {  	_ =	swait.ge [sflag:s9], $0x200  }
0x13: {  	[sflag:s9] =	ssyncset.done $0x0  }
0x14: {  	[sflag:s9] =	ssyncadd.s32 $0xFFFFFE00  }
0x15: {  	[tilespmem:s10], [sflag:$0x1] =	stream.linear.gather [hbm4b:s5+s2], $0x8000, $0x38;
	[tilespmem:$0x10410] =	vst v63  }
0x16: {  	_ = 	snop  }
0x17: {  	[tilespmem:s12], [sflag:$0x2] =	stream.indirect.gather [hbm4b:s3+s11], $0x40, s2, s11, $0xb8;
	[tilespmem:$0x10410] =	vst v63  }
0x18: {  	_ = 	snop  }
0x19: {  	[tilespmem:s13], [sflag:$0x2] =	stream.indirect.gather [hbm4b:s3+s11], $0x40, s11, s11, $0xb8;
	[tilespmem:$0x10410] =	vst v63  }
0x1a: {  	_ = 	snop  }
0x1b: {  	[tilespmem:s15], [sflag:$0x2] =	stream.indirect.gather [hbm4b:s3+s11], $0x40, s14, s11, $0xb8;
	[tilespmem:$0x10410] =	vst v63  }
0x1c: {  	_ = 	snop  }
0x1d: {  	[tilespmem:s17], [sflag:$0x2] =	stream.indirect.gather [hbm4b:s3+s11], $0x40, s16, s11, $0xb8;
	[tilespmem:$0x10410] =	vst v63  }
0x1e: {  	_ =	swait.ge [sflag:s18], $0x8000  }
0x1f: {  	[sflag:s18] =	ssyncset.done $0x0  }
0x20: {  	[sflag:s18] =	ssyncadd.s32 $0xFFFF8000  }
0x21: {  	_ =	swait.ge [sflag:s19], $0x2000  }
0x22: {  	[sflag:s19] =	ssyncset.done $0x0  }
0x23: {  	[sflag:s19] =	ssyncadd.s32 $0xFFFFE000  }
0x24: {  	_ =	swait.ge [sflag:s19], $0x2000  }
0x25: {  	[sflag:s19] =	ssyncset.done $0x0  }
0x26: {  	[sflag:s19] =	ssyncadd.s32 $0xFFFFE000  }
0x27: {  	_ =	swait.ge [sflag:s19], $0x2000  }
0x28: {  	[sflag:s19] =	ssyncset.done $0x0  }
0x29: {  	[sflag:s19] =	ssyncadd.s32 $0xFFFFE000  }
0x2a: {  	_ =	swait.ge [sflag:s19], $0x2000  }
0x2b: {  	[sflag:s19] =	ssyncset.done $0x0  }
0x2c: {  	s23 =	simm.s32 $0x0;
	[sflag:s19] =	ssyncadd.s32 $0xFFFFE000  }
0x2d: {  	v0 =	vld [tilespmem:s23+$0x5E0]  }
0x2e: {  	v1 =	vld [tilespmem:s23+$0x85B0]  }
0x2f: {  	v2 =	vld [tilespmem:s23+$0x5C0]  }
0x30: {  	v5 =	vld [tilespmem:s23+$0x85C0]  }
0x31: {  	v3 =	vld [tilespmem:s23+$0x5D0]  }
0x32: {  	v6 =	vld [tilespmem:s23+$0x5A0]  }
0x33: {  	v8 =	vld [tilespmem:s23+$0x85A0]  }
0x34: {  	v10 =	vld [tilespmem:s23+$0x530]  }
0x35: {  	v12 =	vld [tilespmem:s23+$0x8530]  }
0x36: {  	v13 =	vld [tilespmem:s23+$0x560]  }
0x37: {  	v15 =	vld [tilespmem:s23+$0x8560]  }
0x38: {  	v9 =	vld [tilespmem:s23+$0x580]  }
0x39: {  	v16 =	vld [tilespmem:s23+$0x8580]  }
0x3a: {  	v17 =	vld [tilespmem:s23+$0x590]  }
0x3b: {  	v18 =	vld [tilespmem:s23+$0x8590]  }
0x3c: {  	v19 =	vld [tilespmem:s23+$0x4F0]  }
0x3d: {  	v20 =	vld [tilespmem:s23+$0x84F0]  }
0x3e: {  	v21 =	vld [tilespmem:s23+$0x520]  }
0x3f: {  	v22 =	vld [tilespmem:s23+$0x8520]  }
0x40: {  	v23 =	vld [tilespmem:s23+$0x540]  }
0x41: {  	v24 =	vld [tilespmem:s23+$0x8540]  }
0x42: {  	v25 =	vld [tilespmem:s23+$0x4E0]  }
0x43: {  	v26 =	vld [tilespmem:s23+$0x84E0]  }
0x44: {  	v27 =	vld [tilespmem:s23+$0x500]  }
0x45: {  	v28 =	vld [tilespmem:s23+$0x8500]  }
0x46: {  	v29 =	vld [tilespmem:s23+$0x510]  }
0x47: {  	v30 =	vld [tilespmem:s23+$0x8510]  }
0x48: {  	v31 =	vld [tilespmem:s23+$0x470]  }
0x49: {  	v32 =	vld [tilespmem:s23+$0x8470]  }
0x4a: {  	v33 =	vld [tilespmem:s23+$0x4A0]  }
0x4b: {  	v34 =	vld [tilespmem:s23+$0x84A0]  }
0x4c: {  	v35 =	vld [tilespmem:s23+$0x4C0]  }
0x4d: {  	v36 =	vld [tilespmem:s23+$0x84C0]  }
0x4e: {  	v37 =	vld [tilespmem:s23+$0x4D0]  }
0x4f: {  	v38 =	vld [tilespmem:s23+$0x84D0]  }
0x50: {  	v39 =	vld [tilespmem:s23+$0x430]  }
0x51: {  	v40 =	vld [tilespmem:s23+$0x8430]  }
0x52: {  	v41 =	vld [tilespmem:s23+$0x460]  }
0x53: {  	v42 =	vld [tilespmem:s23+$0x8460]  }
0x54: {  	v43 =	vld [tilespmem:s23+$0x480]  }
0x55: {  	v44 =	vld [tilespmem:s23+$0x8480]  }
0x56: {  	v45 =	vld [tilespmem:s23+$0x420]  }
0x57: {  	v46 =	vld [tilespmem:s23+$0x8420]  }
0x58: {  	v47 =	vld [tilespmem:s23+$0x440]  }
0x59: {  	v48 =	vld [tilespmem:s23+$0x8440]  }
0x5a: {  	v49 =	vld [tilespmem:s23+$0x450]  }
0x5b: {  	v50 =	vld [tilespmem:s23+$0x8450]  }
0x5c: {  	v51 =	vld [tilespmem:s23+$0x3B0]  }
0x5d: {  	v52 =	vld [tilespmem:s23+$0x83B0]  }
0x5e: {  	v53 =	vld [tilespmem:s23+$0x3E0]  }
0x5f: {  	v54 =	vld [tilespmem:s23+$0x83E0]  }
0x60: {  	v55 =	vld [tilespmem:s23+$0x400]  }
0x61: {  	v56 =	vld [tilespmem:s23+$0x8400]  }
0x62: {  	v57 =	vld [tilespmem:s23+$0x410]  }
0x63: {  	v58 =	vld [tilespmem:s23+$0x8410]  }
0x64: {  	v59 =	vld [tilespmem:s23+$0x370]  }
0x65: {  	v60 =	vld [tilespmem:s23+$0x8370]  }
0x66: {  	v61 =	vld [tilespmem:s23+$0x3A0]  }
0x67: {  	v62 =	vld [tilespmem:s23+$0x83A0]  }
0x68: {  	v63 =	vld [tilespmem:s23+$0x83C0]  }
0x69: {  	v11 =	vld [tilespmem:s23+$0x360]  }
0x6a: {  	v7 =	vld [tilespmem:s23+$0x8360]  }
0x6b: {  	v4 =	vld [tilespmem:s23+$0x380]  }
0x6c: {  	v14 =	vld [tilespmem:s23+$0x2F0]  }
0x6d: {  	[tilespmem:$0x1FED0] =	vst v0;
	v0 =	vld [tilespmem:s23+$0x5B0]  }
0x6e: {  	[tilespmem:$0x1FEC0] =	vst v3;
	v3 =	vld [tilespmem:s23+$0x550]  }
0x6f: {  	v9 =	vsub.f32 v9, v16;
	v16 =	vsub.f32 v17, v18;
	v18 =	vld [tilespmem:s23+$0x390]  }
0x70: {  	v17 =	vld [tilespmem:s23+$0x8390]  }
0x71: {  	v6 =	vsub.f32 v6, v8;
	v8 =	vld [tilespmem:s23+$0x82F0]  }
0x72: {  	v10 =	vsub.f32 v10, v12;
	v12 =	vsub.f32 v13, v15;
	v13 =	vld [tilespmem:s23+$0x350]  }
0x73: {  	v15 =	vsub.f32 v35, v36;
	v36 =	vsub.f32 v25, v26;
	v25 =	vld [tilespmem:s23+$0x82B0]  }
0x74: {  	v26 =	vld [tilespmem:s23+$0x2E0]  }
0x75: {  	v35 =	vld [tilespmem:s23+$0x310]  }
0x76: {  	v31 =	vsub.f32 v31, v32;
	v32 =	vld [tilespmem:s23+$0x230]  }
0x77: {  	v45 =	vsub.f32 v45, v46;
	v46 =	vld [tilespmem:s23+$0x82C0]  }
0x78: {  	v7 =	vsub.f32 v11, v7;
	v11 =	vld [tilespmem:s23+$0x290];
	v9 =	vmul.f32 v9, v9;
	v16 =	vmul.f32 v16, v16  }
0x79: {  	[tilespmem:$0x1FEB0] =	vst v3;
	v3 =	vld [tilespmem:s23+$0x490]  }
0x7a: {  	v0 =	vsub.f32 v0, v1;
	v1 =	vadd.f32 v16, v9;
	v16 =	vld [tilespmem:s23+$0x320]  }
0x7b: {  	v9 =	vsub.f32 v2, v5;
	v2 =	vsub.f32 v27, v28;
	v27 =	vld [tilespmem:s23+$0x8320]  }
0x7c: {  	v5 =	vmul.f32 v6, v6;
	v28 =	vld [tilespmem:s23+$0x340]  }
0x7d: {  	v19 =	vsub.f32 v19, v20;
	v6 =	vsub.f32 v29, v30;
	v29 =	vld [tilespmem:s23+$0x8350]  }
0x7e: {  	v30 =	vld [tilespmem:s23+$0x2B0];
	v1 =	vadd.f32 v5, v1;
	v5 =	vsub.f32 v21, v22;
	v0 =	vmul.f32 v0, v0  }
0x7f: {  	v21 =	vld [tilespmem:s23+$0x8340];
	v22 =	vsub.f32 v37, v38;
	v37 =	vmul.f32 v15, v15;
	v15 =	vsub.f32 v23, v24  }
0x80: {  	v23 =	vld [tilespmem:s23+$0x82E0];
	v38 =	vsub.f32 v47, v48;
	v48 =	vmul.f32 v19, v19;
	v19 =	vsub.f32 v41, v42  }
0x81: {  	v20 =	vsub.f32 v49, v50;
	v2 =	vmul.f32 v2, v2;
	v6 =	vmul.f32 v6, v6;
	v24 =	vld [tilespmem:s23+$0x8300]  }
0x82: {  	v50 =	vmul.f32 v19, v19;
	v19 =	vsub.f32 v57, v58;
	v57 =	vmul.f32 v31, v31;
	v31 =	vld [tilespmem:s23+$0x2C0]  }
0x83: {  	v2 =	vadd.f32 v6, v2;
	v0 =	vadd.f32 v0, v1;
	v1 =	vmul.f32 v5, v5;
	[tilespmem:$0x1FEA0] =	vst v3;
	v3 =	vld [tilespmem:s23+$0x3C0]  }
0x84: {  	v10 =	vmul.f32 v10, v10;
	v13 =	vsub.f32 v13, v29;
	v29 =	vld [tilespmem:s23+$0x8280]  }
0x85: {  	v22 =	vmul.f32 v22, v22;
	v27 =	vsub.f32 v16, v27;
	v16 =	vld [tilespmem:s23+$0x8210];
	v1 =	vadd.f32 v1, v2  }
0x86: {  	v6 =	vmul.f32 v38, v38;
	v25 =	vsub.f32 v30, v25;
	v30 =	vld [tilespmem:s23+$0x8250]  }
0x87: {  	v2 =	vadd.f32 v22, v37;
	v22 =	vld [tilespmem:s23+$0x300];
	v47 =	vadd.f32 v10, v1;
	v10 =	vmul.f32 v20, v20  }
0x88: {  	v14 =	vsub.f32 v14, v8;
	v37 =	vld [tilespmem:s23+$0x82A0]  }
0x89: {  	v5 =	vmul.f32 v36, v36;
	[tilespmem:$0x1FE80] =	vst v3;
	v3 =	vld [tilespmem:s23+$0x3D0];
	v49 =	vadd.f32 v10, v6;
	v10 =	vsub.f32 v55, v56  }
0x8a: {  	v36 =	vsub.f32 v39, v40;
	v58 =	vmul.f32 v19, v19;
	v19 =	vsub.f32 v43, v44;
	v44 =	vld [tilespmem:s23+$0x240]  }
0x8b: {  	v39 =	vsub.f32 v53, v54;
	v21 =	vsub.f32 v28, v21;
	v28 =	vld [tilespmem:s23+$0x280];
	v10 =	vmul.f32 v10, v10  }
0x8c: {  	v2 =	vadd.f32 v5, v2;
	v20 =	vsub.f32 v33, v34;
	v33 =	vld [tilespmem:s23+$0x8230]  }
0x8d: {  	v34 =	vld [tilespmem:s23+$0x2A0];
	v5 =	vadd.f32 v50, v49;
	v50 =	vadd.f32 v58, v10;
	v10 =	vmul.f32 v45, v45  }
0x8e: {  	v23 =	vsub.f32 v26, v23;
	v40 =	vsub.f32 v31, v46;
	[tilespmem:$0x1FE90] =	vst v3;
	v3 =	vld [tilespmem:s23+$0x8380]  }
0x8f: {  	v56 =	vsub.f32 v61, v62;
	v61 =	vld [tilespmem:s23+$0x8290];
	v6 =	vadd.f32 v10, v50;
	v10 =	vmul.f32 v36, v36  }
0x90: {  	v13 =	vmul.f32 v13, v13;
	v2 =	vadd.f32 v48, v2;
	v48 =	vld [tilespmem:s23+$0x2D0];
	v22 =	vsub.f32 v22, v24  }
0x91: {  	v49 =	vsub.f32 v51, v52;
	v51 =	vld [tilespmem:s23+$0x82D0];
	v1 =	vadd.f32 v10, v6;
	v10 =	vmul.f32 v21, v21  }
0x92: {  	v7 =	vmul.f32 v7, v7;
	v52 =	vsub.f32 v18, v17;
	v17 =	vld [tilespmem:s23+$0x220];
	v21 =	vsub.f32 v59, v60  }
0x93: {  	v23 =	vmul.f32 v23, v23;
	v18 =	vld [tilespmem:s23+$0x8220];
	v3 =	vsub.f32 v4, v3;
	v10 =	vadd.f32 v13, v10  }
0x94: {  	v62 =	vld [tilespmem:$0x1FE80];
	v26 =	vsub.f32 v28, v29;
	v11 =	vsub.f32 v11, v61;
	v4 =	vmul.f32 v52, v52  }
0x95: {  	v3 =	vmul.f32 v3, v3;
	v7 =	vadd.f32 v7, v10;
	v10 =	vmul.f32 v21, v21;
	v21 =	vld [tilespmem:s23+$0x210]  }
0x96: {  	v24 =	vld [tilespmem:s23+$0x250];
	v55 =	vadd.f32 v57, v5;
	v58 =	vmul.f32 v56, v56;
	v31 =	vsub.f32 v48, v51  }
0x97: {  	v29 =	vld [tilespmem:s23+$0x8240];
	v26 =	vmul.f32 v26, v26;
	v11 =	vmul.f32 v11, v11;
	v3 =	vadd.f32 v4, v3  }
0x98: {  	(xrf2) =	vadd.scan.msk.f32 $0xffff, v0;
	v57 =	vld [tilespmem:s23+$0x260];
	v17 =	vsub.f32 v17, v18;
	v28 =	vmul.f32 v31, v31;
	v31 =	vsub.f32 v34, v37  }
0x99: {  	(xrf2) =	vadd.scan.msk.f32 $0xffff, v47;
	v45 =	vld [tilespmem:s23+$0x8260];
	v60 =	vmul.f32 v49, v49;
	v11 =	vadd.f32 v11, v26;
	v3 =	vadd.f32 v58, v3  }
0x9a: {  	v54 =	vmovc v47;
	v47 =	vmul.f32 v17, v17;
	v13 =	vld [tilespmem:s23+$0x8200];
	v4 =	vmul.f32 v40, v40;
	v16 =	vsub.f32 v21, v16  }
0x9b: {  	v10 =	vadd.f32 v10, v7;
	v21 =	vmul.f32 v31, v31;
	v8 =	vadd.f32 v60, v3;
	v3 =	vld [tilespmem:s23+$0x200]  }
0x9c: {  	v51 =	vmovc v0;
	v0 =	vld [tilespmem:$0x1FE90];
	v7 =	vsub.f32 v44, v29;
	v46 =	vmul.f32 v16, v16;
	v16 =	vsub.f32 v24, v30  }
0x9d: {  	v4 =	vadd.f32 v28, v4;
	v11 =	vadd.f32 v21, v11;
	v21 =	vmul.f32 v25, v25;
	v24 =	vld [tilespmem:s23+$0x83D0]  }
0x9e: {  	v18 =	vld [tilespmem:s23+$0x270];
	v17 =	vsub.f32 v57, v45;
	v7 =	vmul.f32 v7, v7;
	v26 =	vmul.f32 v16, v16  }
0x9f: {  	v14 =	vmul.f32 v14, v14;
	v4 =	vadd.f32 v23, v4;
	v23 =	vld [tilespmem:s23+$0x8310];
	v16 =	vadd.f32 v21, v11  }
0xa0: {  	v17 =	vmul.f32 v17, v17;
	v21 =	vld [tilespmem:s23+$0x8490];
	v3 =	vsub.f32 v3, v13;
	v7 =	vadd.f32 v26, v7  }
0xa1: {  	v13 =	vadd.f32 v14, v4;
	v14 =	vld [tilespmem:s23+$0x8270]  }
0xa2: {  	v3 =	vmul.f32 v3, v3;
	v7 =	vadd.f32 v17, v7;
	v17 =	vsub.f32 v0, v24;
	v0 =	vld [tilespmem:$0x1FEA0]  }
0xa3: {  	v28 =	vsub.f32 v32, v33;
	v25 =	vld [tilespmem:s23+$0x330]  }
0xa4: {  	v11 =	vld [tilespmem:s23+$0x8330];
	v23 =	vsub.f32 v35, v23;
	v3 =	vadd.f32 v46, v3  }
0xa5: {  	v63 =	vsub.f32 v62, v63;
	v26 =	vld [tilespmem:s23+$0x3F0]  }
0xa6: {  	v48 =	vmul.f32 v28, v28;
	v49 =	vmul.f32 v23, v23;
	v23 =	vld [tilespmem:s23+$0x8550];
	v3 =	vadd.f32 v47, v3  }
0xa7: {  	(xrf2) =	vadd.scan.msk.f32 $0xffff, v2;
	v14 =	vsub.f32 v18, v14;
	v21 =	vsub.f32 v0, v21;
	v0 =	vld [tilespmem:$0x1FEB0]  }
0xa8: {  	(xrf2) =	vadd.scan.msk.f32 $0xffff, v55;
	v50 =	vmul.f32 v27, v27;
	v18 =	vadd.f32 v48, v3;
	v3 =	vmul.f32 v22, v22;
	v22 =	vld [tilespmem:s23+$0x83F0]  }
0xa9: {  	(xrf2) =	vadd.scan.msk.f32 $0xffff, v1;
	v52 =	vmul.f32 v63, v63;
	v14 =	vmul.f32 v14, v14  }
0xaa: {  	(xrf2) =	vadd.scan.msk.f32 $0xffff, v8;
	v24 =	vld [tilespmem:s23+$0x4B0];
	v11 =	vsub.f32 v25, v11;
	v17 =	vmul.f32 v17, v17;
	v3 =	vadd.f32 v49, v3  }
0xab: {  	(xrf2) =	vadd.scan.msk.f32 $0xffff, v10;
	v25 =	vld [tilespmem:s23+$0x84B0];
	v14 =	vadd.f32 v14, v7  }
0xac: {  	v27 =	vld [tilespmem:s23+$0x85D0];
	(xrf2) =	vadd.scan.msk.f32 $0xffff, v13;
	v53 =	vmul.f32 v11, v11;
	v7 =	vadd.f32 v17, v52;
	v3 =	vadd.f32 v50, v3  }
0xad: {  	(xrf2) =	vadd.scan.msk.f32 $0xffff, v16;
	v17 =	vmul.f32 v39, v39;
	v23 =	vsub.f32 v0, v23;
	v0 =	vld [tilespmem:$0x1FEC0];
	v22 =	vsub.f32 v26, v22  }
0xae: {  	v19 =	vmul.f32 v19, v19;
	v56 =	vld [tilespmem:s23+$0x8570];
	(xrf2) =	vadd.scan.msk.f32 $0xffff, v18;
	v11 =	vadd.f32 v53, v3;
	v3 =	vmul.f32 v21, v21  }
0xaf: {  	v30 =	vld [tilespmem:s23+$0x85E0];
	v28, _, _ =	vpop (xrf2);
	(xrf2) =	vadd.scan.msk.f32 $0xffff, v14;
	v7 =	vadd.f32 v17, v7;
	v17 =	vmul.f32 v22, v22  }
0xb0: {  	v15 =	vmul.f32 v15, v15;
	v29, _, _ =	vpop (xrf2);
	v24 =	vsub.f32 v24, v25;
	v26 =	vld [tilespmem:s23+$0x570];
	v3 =	vadd.f32 v3, v19  }
0xb1: {  	v21, _, _ =	vpop (xrf2);
	v19 =	vmul.f32 v20, v20;
	v20 =	vld [tilespmem:s23+$0x5F0];
	v7 =	vadd.f32 v17, v7;
	v17 =	vmul.f32 v23, v23  }
0xb2: {  	v12 =	vmul.f32 v12, v12;
	(xrf2) =	vadd.scan.msk.f32 $0xffff, v11;
	v22, _, _ =	vpop (xrf2);
	v27 =	vsub.f32 v0, v27;
	v0 =	vld [tilespmem:$0x1FED0]  }
0xb3: {  	v23 =	vld [tilespmem:s23+$0x85F0];
	v25, _, _ =	vpop (xrf2);
	v3 =	vadd.f32 v19, v3;
	v19 =	vmul.f32 v24, v24;
	v15 =	vadd.f32 v17, v15  }
0xb4: {  	v31, _, _ =	vpop (xrf2)  }
0xb5: {  	v4 =	vsub.f32 v26, v56;
	v24, _, _ =	vpop (xrf2);
	v12 =	vadd.f32 v12, v15;
	v15 =	vmul.f32 v27, v27  }
0xb6: {  	v9 =	vmul.f32 v9, v9;
	v17, _, _ =	vpop (xrf2)  }
0xb7: {  	(xrf2) =	vadd.scan.msk.f32 $0xffff, v7;
	v3 =	vadd.f32 v19, v3;
	v4 =	vmul.f32 v4, v4;
	v26 =	vsub.f32 v0, v30;
	v19, _, _ =	vpop (xrf2)  }
0xb8: {  	v20 =	vsub.f32 v20, v23;
	v27, _, _ =	vpop (xrf2)  }
0xb9: {  	v4 =	vadd.f32 v4, v12;
	v9 =	vadd.f32 v15, v9;
	v12 =	vmul.f32 v26, v26;
	v15, _, _ =	vpop (xrf2)  }
0xba: {  	(xrf2) =	vadd.scan.msk.f32 $0xffff, v3;
	v23 =	vbroadcast v27, $0xF;
	v15 =	vbroadcast v15, $0xF  }
0xbb: {  	v19 =	vbroadcast v19, $0xF  }
0xbc: {  	v9 =	vadd.f32 v12, v9;
	v12 =	vmul.f32 v20, v20;
	v20, _, _ =	vpop (xrf2);
	v15 =	vsel vm0, v23, v15  }
0xbd: {  	(xrf2) =	vadd.scan.msk.f32 $0xffff, v4;
	v15 =	vsel vm1, v15, v19;
	v19 =	vbroadcast v20, $0xF  }
0xbe: {  	v17 =	vbroadcast v17, $0xF;
	_ =	sdelay $0x1  }
0xbf: {  	v9 =	vadd.f32 v12, v9;
	v12 =	vsel vm2, v15, v17;
	v15 =	vbroadcast v24, $0xF  }
0xc0: {  	v17 =	vbroadcast v31, $0xF;
	v12 =	vsel vm3, v12, v19;
	v19, _, _ =	vpop (xrf2)  }
0xc1: {  	v12 =	vsel vm4, v12, v15;
	(xrf2) =	vadd.scan.msk.f32 $0xffff, v9;
	v15 =	vbroadcast v19, $0xF  }
0xc2: {  	v12 =	vsel vm5, v12, v17;
	v17 =	vbroadcast v25, $0xF  }
0xc3: {  	v19, _, _ =	vpop (xrf2);
	v12 =	vsel vm6, v12, v15;
	v15 =	vbroadcast v22, $0xF  }
0xc4: {  	v12 =	vsel vm7, v12, v17;
	v17 =	vbroadcast v19, $0xF  }
0xc5: {  	v12 =	vsel vm8, v12, v15;
	v15 =	vbroadcast v21, $0xF  }
0xc6: {  	v19, _, _ =	vpop (xrf2);
	v12 =	vsel vm9, v12, v17  }
0xc7: {  	v17 =	vbroadcast v29, $0xF;
	v12 =	vsel vm10, v12, v15;
	v15 =	vbroadcast v19, $0xF;
	_ =	sdelay $0x1  }
0xc8: {  	v12 =	vsel vm11, v12, v17;
	v17 =	vbroadcast v28, $0xF  }
0xc9: {  	v12 =	vsel vm12, v12, v15  }
0xca: {  	v12 =	vsel vm13, v12, v17;
	v15, _, _ =	vpop (xrf2)  }
0xcb: {  	v12 =	vsel vm14, v12, v15  }
0xcc: {  	s23 =	simm.s32 $0x400;
	[tilespmem:s20+$0x0] =	vst v12  }
0xcd: {  	v34 =	vmov v2;
	v2 =	vld [tilespmem:s23+$0x5E0]  }
0xce: {  	v0 =	vld [tilespmem:s23+$0x85E0]  }
0xcf: {  	v17 =	vld [tilespmem:s23+$0x5B0]  }
0xd0: {  	v5 =	vld [tilespmem:s23+$0x85B0]  }
0xd1: {  	v20 =	vld [tilespmem:s23+$0x5C0]  }
0xd2: {  	v21 =	vld [tilespmem:s23+$0x85C0]  }
0xd3: {  	v22 =	vld [tilespmem:s23+$0x5D0]  }
0xd4: {  	v23 =	vld [tilespmem:s23+$0x85D0]  }
0xd5: {  	v24 =	vld [tilespmem:s23+$0x5A0]  }
0xd6: {  	v25 =	vld [tilespmem:s23+$0x85A0]  }
0xd7: {  	v26 =	vld [tilespmem:s23+$0x530]  }
0xd8: {  	v27 =	vld [tilespmem:s23+$0x8530]  }
0xd9: {  	v58 =	vld [tilespmem:s23+$0x560]  }
0xda: {  	v59 =	vld [tilespmem:s23+$0x8560]  }
0xdb: {  	v30 =	vld [tilespmem:s23+$0x580]  }
0xdc: {  	v31 =	vld [tilespmem:s23+$0x8580]  }
0xdd: {  	v32 =	vld [tilespmem:s23+$0x590]  }
0xde: {  	v33 =	vld [tilespmem:s23+$0x8590]  }
0xdf: {  	v40 =	vld [tilespmem:s23+$0x4F0]  }
0xe0: {  	v39 =	vld [tilespmem:s23+$0x84F0]  }
0xe1: {  	v36 =	vld [tilespmem:s23+$0x520]  }
0xe2: {  	v37 =	vld [tilespmem:s23+$0x8520]  }
0xe3: {  	v50 =	vld [tilespmem:s23+$0x540]  }
0xe4: {  	v48 =	vld [tilespmem:s23+$0x8540]  }
0xe5: {  	v49 =	vld [tilespmem:s23+$0x550]  }
0xe6: {  	v41 =	vld [tilespmem:s23+$0x8550]  }
0xe7: {  	v42 =	vld [tilespmem:s23+$0x4E0]  }
0xe8: {  	v63 =	vimm.f32 $0.0e+00;
	v43 =	vld [tilespmem:s23+$0x84E0]  }
0xe9: {  	v18 =	vadd.f32 v18, v63;
	v44 =	vld [tilespmem:s23+$0x500]  }
0xea: {  	v45 =	vld [tilespmem:s23+$0x8500]  }
0xeb: {  	v14 =	vadd.f32 v14, v18;
	v46 =	vld [tilespmem:s23+$0x510]  }
0xec: {  	v47 =	vld [tilespmem:s23+$0x8510]  }
0xed: {  	v14 =	vadd.f32 v16, v14;
	v57 =	vld [tilespmem:s23+$0x470]  }
0xee: {  	v60 =	vld [tilespmem:s23+$0x8470]  }
0xef: {  	v13 =	vadd.f32 v13, v14;
	v61 =	vld [tilespmem:s23+$0x4A0]  }
0xf0: {  	v52 =	vld [tilespmem:s23+$0x4C0]  }
0xf1: {  	v11 =	vadd.f32 v11, v13;
	v53 =	vld [tilespmem:s23+$0x84C0]  }
0xf2: {  	v56 =	vld [tilespmem:s23+$0x4D0]  }
0xf3: {  	v10 =	vadd.f32 v10, v11;
	v38 =	vld [tilespmem:s23+$0x84D0]  }
0xf4: {  	v62 =	vld [tilespmem:s23+$0x430]  }
0xf5: {  	v8 =	vadd.f32 v8, v10;
	v35 =	vld [tilespmem:s23+$0x8430]  }
0xf6: {  	v28 =	vld [tilespmem:s23+$0x460]  }
0xf7: {  	v7 =	vadd.f32 v7, v8;
	v29 =	vld [tilespmem:s23+$0x8460]  }
0xf8: {  	v63 =	vld [tilespmem:s23+$0x490]  }
0xf9: {  	v1 =	vadd.f32 v1, v7;
	v13 =	vld [tilespmem:s23+$0x440]  }
0xfa: {  	v14 =	vld [tilespmem:s23+$0x8440]  }
0xfb: {  	v1 =	vadd.f32 v55, v1;
	v12 =	vld [tilespmem:s23+$0x450]  }
0xfc: {  	v6 =	vld [tilespmem:s23+$0x8450]  }
0xfd: {  	v1 =	vadd.f32 v3, v1;
	v3 =	vld [tilespmem:s23+$0x370]  }
0xfe: {  	v10 =	vld [tilespmem:s23+$0x3B0]  }
0xff: {  	v8 =	vld [tilespmem:s23+$0x3E0]  }
0x100: {  	v1 =	vadd.f32 v34, v1;
	v19 =	vld [tilespmem:s23+$0x400]  }
0x101: {  	v18 =	vld [tilespmem:s23+$0x8400]  }
0x102: {  	v1 =	vadd.f32 v54, v1;
	[tilespmem:$0x1FFC0] =	vst v3;
	v3 =	vld [tilespmem:s23+$0x8370]  }
0x103: {  	v16 =	vld [tilespmem:s23+$0x410]  }
0x104: {  	v1 =	vadd.f32 v4, v1;
	v15 =	vld [tilespmem:s23+$0x8410]  }
0x105: {  	v34 =	vld [tilespmem:s23+$0x83A0]  }
0x106: {  	v1 =	vadd.f32 v51, v1;
	v51 =	vld [tilespmem:s23+$0x8360]  }
0x107: {  	[tilespmem:$0x1FFD0] =	vst v3;
	v3 =	vld [tilespmem:s23+$0x3C0]  }
0x108: {  	[tilespmem:$0x1FF20] =	vst v61;
	v61 =	vld [tilespmem:s23+$0x84A0]  }
0x109: {  	[tilespmem:$0x1FF10] =	vst v60;
	v60 =	vld [tilespmem:s23+$0x480]  }
0x10a: {  	[tilespmem:$0x1FF30] =	vst v62;
	v62 =	vld [tilespmem:s23+$0x8480]  }
0x10b: {  	[tilespmem:$0x1FF40] =	vst v35;
	v35 =	vld [tilespmem:s23+$0x8490]  }
0x10c: {  	[tilespmem:$0x1FFE0] =	vst v3;
	v3 =	vld [tilespmem:s23+$0x83C0]  }
0x10d: {  	[tilespmem:$0x1FF70] =	vst v63;
	v63 =	vld [tilespmem:s23+$0x8420]  }
0x10e: {  	[tilespmem:$0x1FFA0] =	vst v8;
	v8 =	vld [tilespmem:s23+$0x83E0]  }
0x10f: {  	[tilespmem:$0x1FF00] =	vst v57;
	v57 =	vsub.f32 v32, v33;
	v32 =	vld [tilespmem:s23+$0x390]  }
0x110: {  	v33 =	vsub.f32 v24, v25;
	v24 =	vld [tilespmem:s23+$0x8390]  }
0x111: {  	[tilespmem:$0x1FFF0] =	vst v3;
	v3 =	vld [tilespmem:s23+$0x3D0]  }
0x112: {  	[tilespmem:$0x1FF90] =	vst v10;
	v10 =	vsub.f32 v46, v47;
	v46 =	vld [tilespmem:s23+$0x8320]  }
0x113: {  	v11 =	vsub.f32 v36, v37;
	v36 =	vld [tilespmem:s23+$0x8340]  }
0x114: {  	v54 =	vadd.f32 v9, v1;
	v37 =	vld [tilespmem:s23+$0x350]  }
0x115: {  	v55 =	vsub.f32 v2, v0;
	v25 =	vsub.f32 v40, v39;
	v39 =	vld [tilespmem:s23+$0x8350]  }
0x116: {  	v1 =	vsub.f32 v20, v21;
	v20 =	vld [tilespmem:s23+$0x2B0];
	[tilespmem:$0x1FEE0] =	vst v3;
	v3 =	vsub.f32 v30, v31  }
0x117: {  	v9 =	vsub.f32 v17, v5;
	v17 =	vsub.f32 v26, v27;
	v40 =	vld [tilespmem:s23+$0x2E0]  }
0x118: {  	v6 =	vsub.f32 v12, v6;
	v12 =	vld [tilespmem:s23+$0x82E0];
	v0 =	vmul.f32 v3, v3;
	v3 =	vmul.f32 v57, v57  }
0x119: {  	v21 =	vsub.f32 v42, v43;
	v27 =	vsub.f32 v28, v29;
	v28 =	vld [tilespmem:s23+$0x2A0]  }
0x11a: {  	v42 =	vld [tilespmem:s23+$0x2C0];
	v7 =	vmul.f32 v33, v33;
	v0 =	vadd.f32 v3, v0;
	v3 =	vsub.f32 v44, v45  }
0x11b: {  	v47 =	vld [tilespmem:s23+$0x82D0];
	v9 =	vmul.f32 v9, v9  }
0x11c: {  	v2 =	vld [tilespmem:$0x1FF10];
	v10 =	vmul.f32 v10, v10;
	v0 =	vadd.f32 v7, v0;
	v3 =	vmul.f32 v3, v3  }
0x11d: {  	v59 =	vsub.f32 v58, v59;
	[tilespmem:$0x1FEF0] =	vst v1;
	v1 =	vld [tilespmem:s23+$0x2F0]  }
0x11e: {  	v11 =	vmul.f32 v11, v11;
	v3 =	vadd.f32 v10, v3;
	v58 =	vadd.f32 v9, v0;
	v0 =	vld [tilespmem:$0x1FF00]  }
0x11f: {  	v33 =	vld [tilespmem:s23+$0x340]  }
0x120: {  	v17 =	vmul.f32 v17, v17;
	[tilespmem:$0x1FF60] =	vst v62;
	v62 =	vld [tilespmem:s23+$0x420];
	v3 =	vadd.f32 v11, v3  }
0x121: {  	[tilespmem:$0x1FF50] =	vst v60;
	v60 =	vld [tilespmem:s23+$0x83B0]  }
0x122: {  	v9 =	vsub.f32 v52, v53;
	v52 =	vadd.f32 v17, v3;
	v3 =	vld [tilespmem:$0x1FF40]  }
0x123: {  	v29 =	vsub.f32 v0, v2;
	v2 =	vld [tilespmem:$0x1FF30]  }
0x124: {  	[tilespmem:$0x1FF80] =	vst v35;
	v35 =	vld [tilespmem:s23+$0x3A0]  }
0x125: {  	[tilespmem:$0x1FFB0] =	vst v8;
	v8 =	vld [tilespmem:s23+$0x360]  }
0x126: {  	v24 =	vsub.f32 v32, v24;
	v32 =	vld [tilespmem:s23+$0x220];
	v10 =	vsub.f32 v56, v38  }
0x127: {  	v15 =	vsub.f32 v16, v15;
	v57 =	vsub.f32 v22, v23;
	v0 =	vld [tilespmem:$0x1FF20]  }
0x128: {  	v9 =	vmul.f32 v9, v9;
	v23 =	vmul.f32 v10, v10;
	v16 =	vsub.f32 v2, v3;
	v2 =	vld [tilespmem:$0x1FF50]  }
0x129: {  	v3 =	vld [tilespmem:$0x1FF60]  }
0x12a: {  	v21 =	vmul.f32 v21, v21;
	v34 =	vsub.f32 v35, v34;
	v35 =	vld [tilespmem:s23+$0x8200];
	v9 =	vadd.f32 v23, v9  }
0x12b: {  	v30 =	vld [tilespmem:s23+$0x380]  }
0x12c: {  	v31 =	vld [tilespmem:s23+$0x8380];
	v9 =	vadd.f32 v21, v9;
	v21 =	vmul.f32 v25, v25  }
0x12d: {  	v22 =	vld [tilespmem:s23+$0x82B0];
	v56 =	vsub.f32 v50, v48;
	v50 =	vsub.f32 v0, v61  }
0x12e: {  	v0 =	vadd.f32 v21, v9;
	v21 =	vsub.f32 v2, v3;
	v2 =	vld [tilespmem:$0x1FF70]  }
0x12f: {  	v3 =	vld [tilespmem:$0x1FF80]  }
0x130: {  	v44 =	vld [tilespmem:s23+$0x82F0]  }
0x131: {  	v45 =	vld [tilespmem:s23+$0x320]  }
0x132: {  	v7 =	vld [tilespmem:s23+$0x8280]  }
0x133: {  	v38 =	vld [tilespmem:s23+$0x8210]  }
0x134: {  	v13 =	vsub.f32 v13, v14;
	v53 =	vmul.f32 v15, v15;
	v15 =	vsub.f32 v2, v3;
	v2 =	vld [tilespmem:$0x1FF90]  }
0x135: {  	v11 =	vsub.f32 v49, v41;
	v41 =	vld [tilespmem:s23+$0x82C0]  }
0x136: {  	v13 =	vmul.f32 v13, v13;
	v26 =	vmul.f32 v6, v6;
	v23 =	vld [tilespmem:s23+$0x300]  }
0x137: {  	v18 =	vsub.f32 v19, v18;
	v17 =	vld [tilespmem:s23+$0x310]  }
0x138: {  	v9 =	vadd.f32 v26, v13;
	v13 =	vmul.f32 v27, v27;
	v3 =	vld [tilespmem:$0x1FFB0]  }
0x139: {  	v18 =	vmul.f32 v18, v18;
	v43 =	vsub.f32 v2, v60;
	v2 =	vld [tilespmem:$0x1FFA0]  }
0x13a: {  	v19 =	vsub.f32 v62, v63;
	v25 =	vld [tilespmem:s23+$0x8300];
	v9 =	vadd.f32 v13, v9;
	v13 =	vmul.f32 v29, v29  }
0x13b: {  	v26 =	vld [tilespmem:s23+$0x230]  }
0x13c: {  	v27 =	vld [tilespmem:s23+$0x8230];
	v9 =	vadd.f32 v13, v9;
	v13 =	vadd.f32 v53, v18;
	v18 =	vmul.f32 v19, v19  }
0x13d: {  	v61 =	vsub.f32 v37, v39;
	v37 =	vld [tilespmem:s23+$0x280]  }
0x13e: {  	v13 =	vadd.f32 v18, v13;
	v18 =	vsub.f32 v2, v3;
	v2 =	vld [tilespmem:$0x1FFC0]  }
0x13f: {  	v19 =	vsub.f32 v30, v31;
	v3 =	vld [tilespmem:$0x1FFD0]  }
0x140: {  	v24 =	vmul.f32 v24, v24;
	(xrf2) =	vadd.scan.msk.f32 $0xffff, v58;
	v31 =	vld [tilespmem:s23+$0x2D0]  }
0x141: {  	v39 =	vld [tilespmem:s23+$0x210];
	v16 =	vmul.f32 v16, v16;
	v19 =	vmul.f32 v19, v19;
	v60 =	vsub.f32 v33, v36  }
0x142: {  	v63 =	vsub.f32 v8, v51;
	v62 =	vmul.f32 v61, v61;
	v53 =	vld [tilespmem:s23+$0x290]  }
0x143: {  	v19 =	vadd.f32 v24, v19;
	v13 =	vadd.f32 v16, v13;
	v16 =	vmul.f32 v60, v60;
	v60 =	vld [tilespmem:s23+$0x8290]  }
0x144: {  	v24 =	vmul.f32 v34, v34;
	v34 =	vsub.f32 v1, v44;
	v6 =	vsub.f32 v2, v3;
	v2 =	vld [tilespmem:$0x1FFE0]  }
0x145: {  	v61 =	vmul.f32 v63, v63;
	v47 =	vsub.f32 v31, v47;
	v31 =	vsub.f32 v45, v46;
	v3 =	vld [tilespmem:$0x1FFF0]  }
0x146: {  	v29 =	vld [tilespmem:s23+$0x82A0];
	v19 =	vadd.f32 v24, v19;
	v36 =	vadd.f32 v62, v16;
	v16 =	vmul.f32 v43, v43  }
0x147: {  	(xrf2) =	vadd.scan.msk.f32 $0xffff, v52;
	v30 =	vld [tilespmem:s23+$0x260];
	v62 =	vsub.f32 v42, v41;
	v41 =	vsub.f32 v40, v12  }
0x148: {  	(xrf2) =	vadd.scan.msk.f32 $0xffff, v0;
	v33 =	vld [tilespmem:s23+$0x8220];
	v16 =	vadd.f32 v16, v19;
	v19 =	vadd.f32 v61, v36;
	v63 =	vmul.f32 v6, v6  }
0x149: {  	(xrf2) =	vadd.scan.msk.f32 $0xffff, v9;
	v44 =	vmul.f32 v47, v47;
	v42 =	vsub.f32 v37, v7;
	v37 =	vld [tilespmem:s23+$0x240];
	v43 =	vsub.f32 v53, v60  }
0x14a: {  	s25 =	simm.s32 $0x2000;
	s24 =	simm.s32 $0x10200;
	v12, _, _ =	vpop (xrf2);
	(xrf2) =	vadd.scan.msk.f32 $0xffff, v13;
	v36 =	vld [tilespmem:s23+$0x200];
	v40 =	vmul.f32 v62, v62;
	v19 =	vadd.f32 v63, v19;
	v24 =	vsub.f32 v2, v3  }
.LBB2_2:
0x14b: {  	v45 =	vld [tilespmem:s23+$0x8240]  }
0x14c: {  	v60 =	vmul.f32 v42, v42;
	v61 =	vmul.f32 v43, v43;
	v23 =	vsub.f32 v23, v25;
	v25 =	vld [tilespmem:s23+$0x250]  }
0x14d: {  	v1 =	vmul.f32 v41, v41;
	v40 =	vadd.f32 v44, v40;
	v26 =	vsub.f32 v26, v27;
	v27 =	vld [tilespmem:s23+$0x8250]  }
0x14e: {  	v41 =	vadd.f32 v61, v60  }
0x14f: {  	v24 =	vmul.f32 v24, v24;
	v40 =	vadd.f32 v1, v40;
	v28 =	vsub.f32 v28, v29;
	v29 =	vld [tilespmem:s23+$0x8260]  }
0x150: {  	v63 =	vld [tilespmem:s23+$0x8310];
	v34 =	vmul.f32 v34, v34;
	v46 =	vsub.f32 v20, v22;
	v35 =	vsub.f32 v36, v35  }
0x151: {  	v4 =	vld [tilespmem:s23+$0x270];
	v62 =	vsub.f32 v39, v38;
	v32 =	vsub.f32 v32, v33;
	v28 =	vmul.f32 v28, v28  }
0x152: {  	v18 =	vmul.f32 v18, v18;
	v44 =	vld [tilespmem:s23+$0x8270];
	v1 =	vsub.f32 v37, v45;
	v25 =	vsub.f32 v25, v27  }
0x153: {  	v34 =	vadd.f32 v34, v40;
	v28 =	vadd.f32 v28, v41;
	v27 =	vmul.f32 v46, v46;
	v46 =	vld [tilespmem:s23+$0x83D0]  }
0x154: {  	v20, _, _ =	vpop (xrf2);
	(xrf2) =	vadd.scan.msk.f32 $0xffff, v16;
	v1 =	vmul.f32 v1, v1;
	v29 =	vsub.f32 v30, v29;
	v30 =	vld [tilespmem:s23+$0x330];
	v25 =	vmul.f32 v25, v25  }
0x155: {  	v5 =	vmul.f32 v21, v21;
	v17 =	vsub.f32 v17, v63;
	v22, _, _ =	vpop (xrf2);
	(xrf2) =	vadd.scan.msk.f32 $0xffff, v19;
	v27 =	vadd.f32 v27, v28;
	v28 =	vld [tilespmem:s23+$0x8330]  }
0x156: {  	v35 =	vmul.f32 v35, v35;
	v36 =	vmul.f32 v62, v62;
	v25 =	vadd.f32 v25, v1;
	v1 =	vld [tilespmem:$0x1FEE0]  }
0x157: {  	v23 =	vmul.f32 v23, v23;
	v17 =	vmul.f32 v17, v17  }
0x158: {  	v32 =	vmul.f32 v32, v32;
	v26 =	vmul.f32 v26, v26;
	v21, _, _ =	vpop (xrf2);
	v35 =	vadd.f32 v36, v35;
	(xrf2) =	vadd.scan.msk.f32 $0xffff, v34  }
0x159: {  	v48 =	vld [tilespmem:s23+$0x3F0];
	v33 =	vsub.f32 v4, v44;
	v17 =	vadd.f32 v17, v23;
	v29 =	vmul.f32 v29, v29  }
0x15a: {  	v49 =	vld [tilespmem:s23+$0x83F0];
	v23 =	vmul.f32 v31, v31;
	v32 =	vadd.f32 v32, v35;
	v28 =	vsub.f32 v30, v28  }
0x15b: {  	v2 =	vmul.f32 v33, v33;
	v47, _, _ =	vpop (xrf2);
	(xrf2) =	vadd.scan.msk.f32 $0xffff, v27;
	v25 =	vadd.f32 v29, v25;
	v8 =	vsub.f32 v1, v46  }
0x15c: {  	v53 =	vld [tilespmem:s23+$0x4B0];
	v17 =	vadd.f32 v23, v17;
	v26 =	vadd.f32 v26, v32;
	v23 =	vmul.f32 v28, v28  }
0x15d: {  	v10 =	vmul.f32 v56, v56;
	v30 =	vld [tilespmem:s23+$0x84B0];
	v2 =	vadd.f32 v2, v25;
	v8 =	vmul.f32 v8, v8  }
0x15e: {  	v11 =	vmul.f32 v11, v11;
	v51, _, _ =	vpop (xrf2);
	(xrf2) =	vadd.scan.msk.f32 $0xffff, v26;
	v1 =	vadd.f32 v26, v54;
	v26 =	vld [tilespmem:s23+$0x570];
	v17 =	vadd.f32 v23, v17  }
0x15f: {  	v15 =	vmul.f32 v15, v15;
	v29, _, _ =	vpop (xrf2);
	(xrf2) =	vadd.scan.msk.f32 $0xffff, v2;
	v23 =	vld [tilespmem:s23+$0x8570];
	v8 =	vadd.f32 v8, v24;
	v24 =	vsub.f32 v48, v49  }
0x160: {  	v14 =	vmul.f32 v50, v50;
	v10 =	vadd.f32 v11, v10;
	v1 =	vadd.f32 v2, v1  }
0x161: {  	v15 =	vadd.f32 v15, v5;
	v8 =	vadd.f32 v18, v8;
	v18 =	vmul.f32 v24, v24  }
0x162: {  	v25, _, _ =	vpop (xrf2);
	v2 =	vld [tilespmem:$0x1FEF0];
	v1 =	vadd.f32 v27, v1;
	(xrf2) =	vadd.scan.msk.f32 $0xffff, v17;
	v24 =	vsub.f32 v53, v30  }
0x163: {  	v7 =	vmul.f32 v59, v59;
	v14 =	vadd.f32 v14, v15;
	v27 =	vld [tilespmem:s23+$0x5F0];
	v8 =	vadd.f32 v18, v8  }
0x164: {  	v1 =	vadd.f32 v34, v1;
	v11 =	vsub.f32 v26, v23;
	v18 =	vld [tilespmem:s23+$0x85F0];
	v3 =	vmul.f32 v24, v24  }
0x165: {  	v7 =	vadd.f32 v7, v10;
	v28, _, _ =	vpop (xrf2);
	(xrf2) =	vadd.scan.msk.f32 $0xffff, v8  }
0x166: {  	v1 =	vadd.f32 v17, v1;
	v10 =	vmul.f32 v11, v11;
	v14 =	vadd.f32 v3, v14  }
0x167: {  	v4 =	vmul.f32 v2, v2;
	v3 =	vmul.f32 v57, v57  }
0x168: {  	v15, _, _ =	vpop (xrf2);
	v1 =	vadd.f32 v19, v1;
	v7 =	vadd.f32 v10, v7;
	(xrf2) =	vadd.scan.msk.f32 $0xffff, v14  }
0x169: {  	v2 =	vmul.f32 v55, v55;
	v5, _, _ =	vpop (xrf2);
	v4 =	vadd.f32 v3, v4;
	v11 =	vsub.f32 v27, v18  }
0x16a: {  	v10 =	vbroadcast v15, $0xF;
	v5 =	vbroadcast v5, $0xF;
	v1 =	vadd.f32 v16, v1  }
0x16b: {  	v15 =	vbroadcast v28, $0xF;
	(xrf2) =	vadd.scan.msk.f32 $0xffff, v7;
	v2 =	vadd.f32 v2, v4;
	v54 =	vmul.f32 v11, v11  }
0x16c: {  	v3 =	vbroadcast v25, $0xF;
	v5 =	vsel vm0, v10, v5;
	v1 =	vadd.f32 v8, v1;
	v8, _, _ =	vpop (xrf2)  }
0x16d: {  	v5 =	vsel vm1, v5, v15;
	v8 =	vbroadcast v8, $0xF;
	v4 =	vadd.f32 v54, v2  }
0x16e: {  	v55 =	vbroadcast v29, $0xF;
	v1 =	vadd.f32 v13, v1;
	v2 =	vsel vm2, v5, v3  }
0x16f: {  	v2 =	vsel vm3, v2, v8;
	v8 =	vbroadcast v51, $0xF;
	v10, _, _ =	vpop (xrf2);
	(xrf2) =	vadd.scan.msk.f32 $0xffff, v4  }
0x170: {  	v1 =	vadd.f32 v9, v1;
	v2 =	vsel vm4, v2, v55;
	v56 =	vbroadcast v10, $0xF  }
0x171: {  	v2 =	vsel vm5, v2, v8;
	v8 =	vbroadcast v47, $0xF  }
0x172: {  	v57 =	vbroadcast v21, $0xF;
	v1 =	vadd.f32 v14, v1;
	v9, _, _ =	vpop (xrf2);
	v2 =	vsel vm6, v2, v56  }
0x173: {  	v3 =	vbroadcast v9, $0xF;
	v2 =	vsel vm7, v2, v8  }
0x174: {  	v59 =	vbroadcast v22, $0xF;
	v1 =	vadd.f32 v0, v1;
	v2 =	vsel vm8, v2, v57  }
0x175: {  	v6 =	vbroadcast v20, $0xF;
	v8, _, _ =	vpop (xrf2);
	v2 =	vsel vm9, v2, v3  }
0x176: {  	v1 =	vadd.f32 v52, v1;
	v0 =	vbroadcast v8, $0xF;
	v2 =	vsel vm10, v2, v59  }
0x177: {  	v60 =	vbroadcast v12, $0xF;
	v2 =	vsel vm11, v2, v6  }
0x178: {  	v1 =	vadd.f32 v7, v1;
	v2 =	vsel vm12, v2, v0  }
0x179: {  	v2 =	vsel vm13, v2, v60;
	v3, _, _ =	vpop (xrf2)  }
0x17a: {  	s24 =	sadd.s32 $0x10, s24;
	v0 =	vadd.f32 v58, v1;
	v1 =	vsel vm14, v2, v3  }
0x17b: {  	s23 =	sshra.s32 s25, $0x2;
	[tilespmem:s24+$0x0] =	vst v1  }
0x17c: {  	v13 =	vld [tilespmem:s23+$0x5E0]  }
0x17d: {  	v25 =	vld [tilespmem:s23+$0x85E0]  }
0x17e: {  	v11 =	vld [tilespmem:s23+$0x5B0]  }
0x17f: {  	v22 =	vld [tilespmem:s23+$0x85B0]  }
0x180: {  	v0 =	vadd.f32 v4, v0;
	v20 =	vld [tilespmem:s23+$0x5C0]  }
0x181: {  	v23 =	vld [tilespmem:s23+$0x85C0]  }
0x182: {  	[tilespmem:$0x1FE30] =	vst v0;
	v0 =	vld [tilespmem:s23+$0x5D0]  }
0x183: {  	v24 =	vld [tilespmem:s23+$0x85D0]  }
0x184: {  	v38 =	vld [tilespmem:s23+$0x5A0]  }
0x185: {  	v44 =	vld [tilespmem:s23+$0x85A0]  }
0x186: {  	v29 =	vld [tilespmem:s23+$0x530]  }
0x187: {  	v37 =	vld [tilespmem:s23+$0x8530]  }
0x188: {  	v16 =	vld [tilespmem:s23+$0x560]  }
0x189: {  	v18 =	vld [tilespmem:s23+$0x8560]  }
0x18a: {  	v42 =	vld [tilespmem:s23+$0x580]  }
0x18b: {  	v47 =	vld [tilespmem:s23+$0x8580]  }
0x18c: {  	v54 =	vld [tilespmem:s23+$0x590]  }
0x18d: {  	v55 =	vld [tilespmem:s23+$0x8590]  }
0x18e: {  	v19 =	vld [tilespmem:s23+$0x84F0]  }
0x18f: {  	v49 =	vld [tilespmem:s23+$0x520]  }
0x190: {  	v52 =	vld [tilespmem:s23+$0x8520]  }
0x191: {  	v17 =	vld [tilespmem:s23+$0x550]  }
0x192: {  	v21 =	vld [tilespmem:s23+$0x8550]  }
0x193: {  	v46 =	vld [tilespmem:s23+$0x4E0]  }
0x194: {  	v51 =	vld [tilespmem:s23+$0x84E0]  }
0x195: {  	v56 =	vld [tilespmem:s23+$0x500]  }
0x196: {  	v57 =	vld [tilespmem:s23+$0x8500]  }
0x197: {  	v58 =	vld [tilespmem:s23+$0x510]  }
0x198: {  	v59 =	vld [tilespmem:s23+$0x8510]  }
0x199: {  	v26 =	vld [tilespmem:s23+$0x470]  }
0x19a: {  	v27 =	vld [tilespmem:s23+$0x8470]  }
0x19b: {  	v60 =	vld [tilespmem:s23+$0x4C0]  }
0x19c: {  	v61 =	vld [tilespmem:s23+$0x84C0]  }
0x19d: {  	v62 =	vld [tilespmem:s23+$0x4D0]  }
0x19e: {  	v63 =	vld [tilespmem:s23+$0x84D0]  }
0x19f: {  	[tilespmem:$0x1FDC0] =	vst v0;
	v0 =	vld [tilespmem:s23+$0x4F0]  }
0x1a0: {  	v28 =	vld [tilespmem:s23+$0x430]  }
0x1a1: {  	v36 =	vld [tilespmem:s23+$0x8430]  }
0x1a2: {  	v50 =	vld [tilespmem:s23+$0x460]  }
0x1a3: {  	v53 =	vld [tilespmem:s23+$0x8460]  }
0x1a4: {  	[tilespmem:$0x1FDD0] =	vst v0;
	v0 =	vld [tilespmem:s23+$0x540]  }
0x1a5: {  	v30 =	vld [tilespmem:s23+$0x480]  }
0x1a6: {  	v32 =	vld [tilespmem:s23+$0x8480]  }
0x1a7: {  	v15 =	vld [tilespmem:s23+$0x8490]  }
0x1a8: {  	v33 =	vld [tilespmem:s23+$0x420]  }
0x1a9: {  	[tilespmem:$0x1FDE0] =	vst v0;
	v0 =	vld [tilespmem:s23+$0x8540]  }
0x1aa: {  	v35 =	vld [tilespmem:s23+$0x8420]  }
0x1ab: {  	v3 =	vld [tilespmem:s23+$0x440]  }
0x1ac: {  	v8 =	vld [tilespmem:s23+$0x8440]  }
0x1ad: {  	v2 =	vld [tilespmem:s23+$0x450]  }
0x1ae: {  	[tilespmem:$0x1FDF0] =	vst v0;
	v0 =	vld [tilespmem:s23+$0x4A0]  }
0x1af: {  	v1 =	vld [tilespmem:s23+$0x8450]  }
0x1b0: {  	v41 =	vld [tilespmem:s23+$0x3B0]  }
0x1b1: {  	v43 =	vld [tilespmem:s23+$0x83B0]  }
0x1b2: {  	v31 =	vld [tilespmem:s23+$0x3E0]  }
0x1b3: {  	[tilespmem:$0x1FE00] =	vst v0;
	v0 =	vld [tilespmem:s23+$0x84A0]  }
0x1b4: {  	v34 =	vld [tilespmem:s23+$0x83E0]  }
0x1b5: {  	v10 =	vld [tilespmem:s23+$0x400]  }
0x1b6: {  	v9 =	vld [tilespmem:s23+$0x8400]  }
0x1b7: {  	v6 =	vld [tilespmem:s23+$0x410]  }
0x1b8: {  	[tilespmem:$0x1FE10] =	vst v0;
	v0 =	vld [tilespmem:s23+$0x490]  }
0x1b9: {  	v5 =	vld [tilespmem:s23+$0x8410]  }
0x1ba: {  	v45 =	vld [tilespmem:s23+$0x3A0]  }
0x1bb: {  	v48 =	vld [tilespmem:s23+$0x83A0]  }
0x1bc: {  	v39 =	vld [tilespmem:s23+$0x360]  }
0x1bd: {  	[tilespmem:$0x1FE20] =	vst v0;
	v0 =	vld [tilespmem:s23+$0x370]  }
0x1be: {  	v40 =	vld [tilespmem:s23+$0x8360]  }
0x1bf: {  	v12 =	vld [tilespmem:s23+$0x380]  }
0x1c0: {  	v4 =	vld [tilespmem:s23+$0x8380]  }
0x1c1: {  	v7 =	vld [tilespmem:s23+$0x8390]  }
0x1c2: {  	[tilespmem:$0x1FE40] =	vst v0;
	v0 =	vld [tilespmem:s23+$0x8370]  }
0x1c3: {  	v14 =	vld [tilespmem:s23+$0x2F0]  }
0x1c4: {  	v42 =	vsub.f32 v42, v47;
	v47 =	vsub.f32 v54, v55;
	v54 =	vld [tilespmem:s23+$0x390]  }
0x1c5: {  	v55 =	vsub.f32 v13, v25;
	v25 =	vsub.f32 v38, v44;
	v38 =	vld [tilespmem:s23+$0x320]  }
0x1c6: {  	v44 =	vld [tilespmem:s23+$0x8320]  }
0x1c7: {  	v11 =	vsub.f32 v11, v22;
	v13 =	vsub.f32 v20, v23;
	[tilespmem:$0x1FE50] =	vst v0;
	v0 =	vld [tilespmem:s23+$0x3C0]  }
0x1c8: {  	v22 =	vsub.f32 v58, v59;
	v59 =	vsub.f32 v16, v18;
	v16 =	vld [tilespmem:s23+$0x350]  }
0x1c9: {  	[tilespmem:$0x1FEF0] =	vst v13;
	v13 =	vld [tilespmem:$0x1FDC0]  }
0x1ca: {  	v1 =	vsub.f32 v2, v1;
	v2 =	vsub.f32 v26, v27;
	v26 =	vld [tilespmem:s23+$0x230]  }
0x1cb: {  	v27 =	vld [tilespmem:s23+$0x8230]  }
0x1cc: {  	[tilespmem:$0x1FE60] =	vst v0;
	v0 =	vld [tilespmem:s23+$0x83C0]  }
0x1cd: {  	v9 =	vsub.f32 v10, v9;
	v10 =	vsub.f32 v33, v35;
	v33 =	vld [tilespmem:s23+$0x8220]  }
0x1ce: {  	v20 =	vsub.f32 v56, v57;
	v57 =	vsub.f32 v13, v24;
	v13 =	vld [tilespmem:$0x1FDD0]  }
0x1cf: {  	v35 =	vld [tilespmem:s23+$0x8200]  }
0x1d0: {  	v23 =	vmul.f32 v25, v25;
	v25 =	vsub.f32 v29, v37;
	v37 =	vld [tilespmem:s23+$0x8340]  }
0x1d1: {  	[tilespmem:$0x1FE70] =	vst v0;
	v0 =	vld [tilespmem:s23+$0x3D0]  }
0x1d2: {  	v3 =	vsub.f32 v3, v8;
	v20 =	vmul.f32 v20, v20;
	v22 =	vmul.f32 v22, v22;
	v24 =	vld [tilespmem:s23+$0x340]  }
0x1d3: {  	v29 =	vsub.f32 v46, v51;
	v46 =	vld [tilespmem:s23+$0x82C0];
	v13 =	vsub.f32 v13, v19  }
0x1d4: {  	v3 =	vmul.f32 v3, v3;
	v18 =	vadd.f32 v22, v20;
	v20 =	vld [tilespmem:s23+$0x2B0]  }
0x1d5: {  	v1 =	vmul.f32 v1, v1;
	v22 =	vld [tilespmem:s23+$0x82B0];
	v7 =	vsub.f32 v54, v7;
	v8 =	vmul.f32 v13, v13  }
0x1d6: {  	v54 =	vld [tilespmem:$0x1FE30];
	v13 =	vsub.f32 v50, v53;
	[tilespmem:$0x1FEE0] =	vst v0;
	v0 =	vmul.f32 v42, v42;
	v42 =	vmul.f32 v47, v47  }
0x1d7: {  	v24 =	vsub.f32 v24, v37;
	v37 =	vld [tilespmem:s23+$0x240]  }
0x1d8: {  	v1 =	vadd.f32 v1, v3;
	v53 =	vld [tilespmem:s23+$0x8280];
	v3 =	vmul.f32 v13, v13;
	v0 =	vadd.f32 v42, v0  }
0x1d9: {  	v19 =	vld [tilespmem:$0x1FDF0]  }
0x1da: {  	v11 =	vmul.f32 v11, v11;
	v1 =	vadd.f32 v3, v1;
	v3 =	vld [tilespmem:s23+$0x2C0];
	v0 =	vadd.f32 v23, v0  }
0x1db: {  	v4 =	vsub.f32 v12, v4;
	v12 =	vld [tilespmem:$0x1FE40]  }
0x1dc: {  	v47 =	vld [tilespmem:s23+$0x82F0];
	v58 =	vadd.f32 v11, v0;
	v11 =	vsub.f32 v62, v63  }
0x1dd: {  	v42 =	vld [tilespmem:s23+$0x8350];
	v23 =	vsub.f32 v49, v52  }
0x1de: {  	v2 =	vmul.f32 v2, v2;
	v0 =	vsub.f32 v60, v61;
	v61 =	vmul.f32 v11, v11;
	v11 =	vld [tilespmem:$0x1FDE0]  }
0x1df: {  	v49 =	vld [tilespmem:s23+$0x2E0];
	v23 =	vmul.f32 v23, v23  }
0x1e0: {  	v62 =	vmul.f32 v9, v9;
	v9 =	vadd.f32 v2, v1;
	v1 =	vld [tilespmem:$0x1FE20];
	v0 =	vmul.f32 v0, v0  }
0x1e1: {  	v5 =	vsub.f32 v6, v5;
	v25 =	vmul.f32 v25, v25;
	v63 =	vmul.f32 v10, v10;
	v10 =	vld [tilespmem:s23+$0x82D0]  }
0x1e2: {  	v60 =	vmul.f32 v24, v24;
	v24 =	vld [tilespmem:$0x1FE50];
	v18 =	vadd.f32 v23, v18;
	v0 =	vadd.f32 v61, v0  }
0x1e3: {  	v23 =	vld [tilespmem:s23+$0x300];
	v56 =	vsub.f32 v11, v19;
	v11 =	vsub.f32 v17, v21;
	v17 =	vmul.f32 v29, v29  }
0x1e4: {  	v5 =	vmul.f32 v5, v5;
	v52 =	vadd.f32 v25, v18;
	v18 =	vld [tilespmem:$0x1FE00]  }
0x1e5: {  	v21 =	vld [tilespmem:$0x1FE10];
	v0 =	vadd.f32 v17, v0  }
0x1e6: {  	v5 =	vadd.f32 v5, v62;
	v62 =	vld [tilespmem:s23+$0x8290]  }
0x1e7: {  	v25 =	vld [tilespmem:s23+$0x8300];
	v0 =	vadd.f32 v8, v0;
	v8 =	vsub.f32 v28, v36  }
0x1e8: {  	v16 =	vsub.f32 v16, v42;
	v61 =	vld [tilespmem:s23+$0x290]  }
0x1e9: {  	v15 =	vsub.f32 v1, v15;
	v1 =	vld [tilespmem:s23+$0x2D0];
	v36 =	vmul.f32 v8, v8;
	v8 =	vsub.f32 v45, v48  }
0x1ea: {  	v4 =	vmul.f32 v4, v4;
	v7 =	vmul.f32 v7, v7;
	v19 =	vld [tilespmem:s23+$0x82E0];
	v50 =	vsub.f32 v18, v21  }
0x1eb: {  	(xrf2) =	vadd.scan.msk.f32 $0xffff, v58;
	v29 =	vld [tilespmem:s23+$0x82A0];
	v51 =	vmul.f32 v8, v8;
	v8 =	vmul.f32 v16, v16;
	v16 =	vsub.f32 v39, v40  }
0x1ec: {  	v18 =	vsub.f32 v31, v34;
	v31 =	vsub.f32 v12, v24;
	v12 =	vld [tilespmem:$0x1FE60]  }
0x1ed: {  	v4 =	vadd.f32 v7, v4;
	v6 =	vadd.f32 v8, v60;
	v8 =	vmul.f32 v16, v16;
	v16 =	vld [tilespmem:$0x1FE70]  }
0x1ee: {  	v2 =	vsub.f32 v41, v43;
	v5 =	vadd.f32 v63, v5;
	v17 =	vld [tilespmem:s23+$0x310]  }
0x1ef: {  	v43 =	vsub.f32 v61, v62;
	v1 =	vsub.f32 v1, v10;
	v28 =	vld [tilespmem:s23+$0x2A0]  }
0x1f0: {  	p0 =	sne.s32 s25, $0x1F000;
	v2 =	vmul.f32 v2, v2;
	v21 =	vsub.f32 v30, v32;
	v48 =	vld [tilespmem:s23+$0x280];
	v4 =	vadd.f32 v51, v4  }
.Ltmp0:
0x1f1: {  	v32 =	vld [tilespmem:s23+$0x220];
	v63 =	vmul.f32 v31, v31;
	v31 =	vsub.f32 v38, v44;
	v13 =	vadd.f32 v36, v5;
	(pc) =	sbr.rel @p0 .LBB2_2-.Ltmp0, $4  }
0x1f2: {  	(xrf2) =	vadd.scan.msk.f32 $0xffff, v52;
	v30 =	vld [tilespmem:s23+$0x260];
	v24 =	vsub.f32 v12, v16;
	v16 =	vadd.f32 v2, v4  }
0x1f3: {  	(xrf2) =	vadd.scan.msk.f32 $0xffff, v0;
	v38 =	vld [tilespmem:s23+$0x8210];
	v2 =	vsub.f32 v3, v46;
	v3 =	vadd.f32 v8, v6  }
0x1f4: {  	v34 =	vsub.f32 v14, v47;
	v41 =	vsub.f32 v49, v19;
	(xrf2) =	vadd.scan.msk.f32 $0xffff, v9;
	v44 =	vmul.f32 v1, v1;
	v36 =	vld [tilespmem:s23+$0x200]  }
0x1f5: {  	s25 =	sadd.s32 $0x1000, s25;
	v39 =	vld [tilespmem:s23+$0x210];
	v42 =	vsub.f32 v48, v53;
	v12, _, _ =	vpop (xrf2);
	(xrf2) =	vadd.scan.msk.f32 $0xffff, v13;
	v40 =	vmul.f32 v2, v2;
	v19 =	vadd.f32 v63, v3  }
0x1f6: {  	v1 =	vld [tilespmem:s23+$0x8240]  }
0x1f7: {  	v5 =	vld [tilespmem:s23+$0x250]  }
0x1f8: {  	v48 =	vld [tilespmem:s23+$0x8250]  }
0x1f9: {  	v2 =	vsub.f32 v20, v22;
	v3 =	vmul.f32 v41, v41;
	v51 =	vld [tilespmem:s23+$0x8260]  }
0x1fa: {  	v4 =	vsub.f32 v23, v25;
	v7 =	vmul.f32 v43, v43;
	v49 =	vsub.f32 v28, v29;
	v62 =	vld [tilespmem:s23+$0x8310]  }
0x1fb: {  	v10 =	vsub.f32 v26, v27;
	v53 =	vmul.f32 v34, v34;
	v14 =	vld [tilespmem:s23+$0x270];
	v6 =	vmul.f32 v42, v42  }
0x1fc: {  	v63 =	vsub.f32 v32, v33;
	v33 =	vld [tilespmem:s23+$0x8270];
	v8 =	vadd.f32 v44, v40;
	v22 =	vmul.f32 v49, v49  }
0x1fd: {  	v2 =	vmul.f32 v2, v2;
	v6 =	vadd.f32 v7, v6;
	v60 =	vsub.f32 v36, v35  }
0x1fe: {  	v4 =	vmul.f32 v4, v4;
	v3 =	vadd.f32 v3, v8;
	v61 =	vsub.f32 v39, v38  }
0x1ff: {  	v34 =	vld [tilespmem:s23+$0x83D0];
	v35 =	vmul.f32 v63, v63;
	v29 =	vmul.f32 v60, v60;
	v1 =	vsub.f32 v37, v1  }
0x200: {  	v38 =	vld [tilespmem:s23+$0x8330];
	v5 =	vsub.f32 v5, v48;
	v36 =	vsub.f32 v30, v51;
	v32 =	vmul.f32 v61, v61  }
0x201: {  	v39 =	vmul.f32 v10, v10;
	v37 =	vld [tilespmem:s23+$0x330];
	v40 =	vsub.f32 v17, v62;
	v42 =	vsub.f32 v14, v33  }
0x202: {  	v14 =	vld [tilespmem:$0x1FEE0];
	v1 =	vmul.f32 v1, v1;
	v5 =	vmul.f32 v5, v5;
	v7 =	vadd.f32 v32, v29  }
0x203: {  	v3 =	vadd.f32 v53, v3;
	v6 =	vadd.f32 v22, v6;
	v44 =	vmul.f32 v40, v40  }
0x204: {  	v41 =	vmul.f32 v36, v36;
	v1 =	vadd.f32 v5, v1;
	v7 =	vadd.f32 v35, v7  }
0x205: {  	v43 =	vld [tilespmem:s23+$0x3F0];
	v2 =	vadd.f32 v2, v6;
	v4 =	vadd.f32 v44, v4  }
0x206: {  	(xrf2) =	vadd.scan.msk.f32 $0xffff, v16;
	v45 =	vld [tilespmem:s23+$0x83F0];
	v46 =	vmul.f32 v42, v42;
	v1 =	vadd.f32 v41, v1;
	v7 =	vadd.f32 v39, v7  }
0x207: {  	v24 =	vmul.f32 v24, v24;
	(xrf2) =	vadd.scan.msk.f32 $0xffff, v19;
	v49 =	vld [tilespmem:s23+$0x4B0];
	v47 =	vsub.f32 v14, v34;
	v6 =	vsub.f32 v37, v38  }
0x208: {  	v51 =	vmul.f32 v31, v31;
	v53 =	vld [tilespmem:s23+$0x84B0];
	(xrf2) =	vadd.scan.msk.f32 $0xffff, v3;
	v1 =	vadd.f32 v46, v1;
	v54 =	vadd.f32 v7, v54  }
0x209: {  	v48 =	vmul.f32 v21, v21;
	(xrf2) =	vadd.scan.msk.f32 $0xffff, v2;
	v17 =	vmul.f32 v47, v47  }
0x20a: {  	v4 =	vadd.f32 v51, v4;
	v6 =	vmul.f32 v6, v6;
	(xrf2) =	vadd.scan.msk.f32 $0xffff, v7;
	v5 =	vadd.f32 v1, v54  }
0x20b: {  	v10 =	vsub.f32 v43, v45;
	v62 =	vld [tilespmem:s23+$0x570];
	v61 =	vmul.f32 v18, v18;
	v60 =	vadd.f32 v17, v24;
	(xrf2) =	vadd.scan.msk.f32 $0xffff, v1  }
0x20c: {  	v22 =	vmul.f32 v15, v15;
	v63, _, _ =	vpop (xrf2);
	v4 =	vadd.f32 v6, v4;
	v24 =	vld [tilespmem:s23+$0x8570];
	v2 =	vadd.f32 v2, v5  }
0x20d: {  	v30 =	vld [tilespmem:s23+$0x5F0];
	v25, _, _ =	vpop (xrf2);
	v26 =	vmul.f32 v10, v10;
	v27 =	vsub.f32 v49, v53;
	v7 =	vadd.f32 v61, v60  }
0x20e: {  	v28, _, _ =	vpop (xrf2);
	v29 =	vmul.f32 v50, v50;
	v39 =	vld [tilespmem:$0x1FEF0];
	v6 =	vadd.f32 v22, v48;
	(xrf2) =	vadd.scan.msk.f32 $0xffff, v4;
	v2 =	vadd.f32 v3, v2  }
0x20f: {  	v11 =	vmul.f32 v11, v11;
	v33 =	vld [tilespmem:s23+$0x85F0];
	v32 =	vmul.f32 v56, v56;
	v31, _, _ =	vpop (xrf2);
	v7 =	vadd.f32 v26, v7  }
0x210: {  	v34, _, _ =	vpop (xrf2);
	v10 =	vmul.f32 v27, v27;
	v6 =	vadd.f32 v29, v6;
	v2 =	vadd.f32 v4, v2  }
0x211: {  	v36 =	vmul.f32 v59, v59;
	v8 =	vadd.f32 v11, v32;
	v35, _, _ =	vpop (xrf2);
	v37 =	vsub.f32 v62, v24;
	(xrf2) =	vadd.scan.msk.f32 $0xffff, v7  }
0x212: {  	v42 =	vmul.f32 v57, v57;
	v38, _, _ =	vpop (xrf2);
	v6 =	vadd.f32 v10, v6;
	v2 =	vadd.f32 v19, v2  }
0x213: {  	v8 =	vadd.f32 v36, v8;
	v10 =	vmul.f32 v39, v39;
	v40, _, _ =	vpop (xrf2);
	v41 =	vmul.f32 v37, v37  }
0x214: {  	v20 =	vsub.f32 v30, v33;
	(xrf2) =	vadd.scan.msk.f32 $0xffff, v6;
	v43, _, _ =	vpop (xrf2);
	v2 =	vadd.f32 v16, v2  }
0x215: {  	v44 =	vmul.f32 v55, v55;
	v10 =	vadd.f32 v42, v10;
	v8 =	vadd.f32 v41, v8;
	v45, _, _ =	vpop (xrf2)  }
0x216: {  	v46 =	vbroadcast v43, $0xF;
	v14 =	vbroadcast v45, $0xF;
	v2 =	vadd.f32 v7, v2  }
0x217: {  	v48 =	vmul.f32 v20, v20;
	v47 =	vbroadcast v40, $0xF;
	v10 =	vadd.f32 v44, v10;
	(xrf2) =	vadd.scan.msk.f32 $0xffff, v8  }
0x218: {  	v15 =	vbroadcast v38, $0xF;
	v49, _, _ =	vpop (xrf2);
	v14 =	vsel vm0, v46, v14;
	v2 =	vadd.f32 v13, v2  }
0x219: {  	v10 =	vadd.f32 v48, v10;
	v50 =	vbroadcast v49, $0xF;
	v7 =	vsel vm1, v14, v47  }
0x21a: {  	v4 =	vbroadcast v35, $0xF;
	v7 =	vsel vm2, v7, v15;
	v2 =	vadd.f32 v9, v2  }
0x21b: {  	v51 =	vbroadcast v34, $0xF;
	(xrf2) =	vadd.scan.msk.f32 $0xffff, v10;
	v53, _, _ =	vpop (xrf2);
	v7 =	vsel vm3, v7, v50  }
0x21c: {  	v54 =	vbroadcast v53, $0xF;
	v4 =	vsel vm4, v7, v4;
	v2 =	vadd.f32 v6, v2  }
0x21d: {  	v3 =	vbroadcast v31, $0xF;
	v4 =	vsel vm5, v4, v51  }
0x21e: {  	v55 =	vbroadcast v28, $0xF;
	v56, _, _ =	vpop (xrf2);
	v4 =	vsel vm6, v4, v54;
	v0 =	vadd.f32 v0, v2  }
0x21f: {  	v59 =	vbroadcast v56, $0xF;
	v57 =	vsel vm7, v4, v3  }
0x220: {  	v60 =	vbroadcast v25, $0xF;
	v2 =	vsel vm8, v57, v55;
	v0 =	vadd.f32 v52, v0  }
0x221: {  	v1 =	vbroadcast v63, $0xF;
	v61, _, _ =	vpop (xrf2);
	v2 =	vsel vm9, v2, v59  }
0x222: {  	v3 =	vbroadcast v61, $0xF;
	v2 =	vsel vm10, v2, v60;
	v0 =	vadd.f32 v8, v0  }
0x223: {  	v62 =	vbroadcast v12, $0xF;
	v1 =	vsel vm11, v2, v1  }
0x224: {  	v1 =	vsel vm12, v1, v3;
	v0 =	vadd.f32 v58, v0  }
0x225: {  	v63, _, _ =	vpop (xrf2);
	v1 =	vsel vm13, v1, v62  }
0x226: {  	s31 =	sadd.s32 $0x10, s24;
	v1 =	vsel vm14, v1, v63;
	v0 =	vadd.f32 v10, v0  }
0x227: {  	[tilespmem:s31+$0x0] =	vst v1  }
0x228: {  	[tilespmem:$0x10400] =	vst v0  }
0x229: {  	[hbm4b:s6+s2] =	stream.linear.scatter [tilespmem:s20], [sflag:$0x3], $0x200, $0x38;
	[tilespmem:$0x10410] =	vst v63  }
0x22a: {  	s22 =	sadd.s32 $0x1, s22;
	_ =	swait.ge [sflag:s9], $0x200  }
0x22b: {  	p0 =	sne.s32 s22, s8;
	[sflag:s9] =	ssyncset.done $0x0  }
.Ltmp1:
0x22c: {  	[sflag:s9] =	ssyncadd.s32 $0xFFFFFE00;
	(pc) =	sbr.rel @p0 .LBB2_1-.Ltmp1, $4  }
0x22d: {  	[hbm4b:s7+s2] =	stream.linear.scatter [tilespmem:s21], [sflag:$0x3], $0x10, $0x38;
	[tilespmem:$0x10410] =	vst v63  }
0x22e: {  	_ =	swait.ge [sflag:s9], $0x10  }
0x22f: {  	[sflag:s9] =	ssyncset.done $0x0  }
0x230: {  	[sflag:s9] =	ssyncadd.s32 $0xFFFFFFF0  }
0x231: {  	_ =	sfence.sel $0x180000  }
0x232: {  	[bflag:$0x0] =	sbarrier.arrive $0xFFFF  }
0x233: {  	p0 =	sne.s32 s1, $0x0;
	_ =	strace $0x90000047  }
0x234: {  	s0 =	sadd.s32 @!p0 $0x100000, s0;
	[bflag:$0x2] =	sbarrier.arrive $0xFFFF  }
0x235: {  	[sflag:s0] =	ssyncadd.tile.s32 @!p0 $0x1;
	_ =	shalt  }
.Lfunc_end2:
_tile_overlayer_lowered:
.L_overlay_start_2:
0x236: {  	(tag) =	ssettag $0x2  }
0x237: {  	s0 =	rddreg [dreg:$0x0];
	s2 =	stileid.u32  }
0x238: {  	s1 =	rddreg [dreg:$0x1];
	p0 =	sne.s32 s2, $0x0  }
0x239: {  	s3 =	rddreg [dreg:$0x2];
	[bflag:$0x3] =	sbarrier.arrive $0xFFFF;
	s2 =	simm.s32 @!p0 $0x1C03  }
0x23a: {  	[timem:s3], [sflag:s2] =	dma.local @!p0 [hbm:s0], s1  }
0x23b: {  	s0 =	simm.s32 @!p0 $0x3  }
0x23c: {  	_ =	swait.ge @!p0 [sflag:s0], s1  }
0x23d: {  	s1 =	ssub.s32 @!p0 $0x0, s1;
	[sflag:s0] =	ssyncset.done @!p0 $0x0  }
0x23e: {  	[sflag:s0] =	ssyncadd.s32 @!p0 s1  }
0x23f: {  	[bflag:$0x3] =	sbarrier.arrive $0xFFFF  }
0x240: {  	_ =	shalt  }

</sc_bundles>
